<compile_context>
chip_gen: v7x
topology: tpu7x:2x2x1
jax: 0.10.2.dev20260603
libtpu: 0.0.44.dev20260713+nightly
codegen_flags: <defaults>
</compile_context>

<pallas_src>
import functools

import jax
import jax.numpy as jnp
from jax import lax
from jax.experimental import pallas as pl
from jax.experimental.pallas import tpu as pltpu
from jax.experimental.pallas import tpu_sc as plsc

NC = 2
NS = 16
NW = NC * NS
CH = 128


def _sc_aggregate(x, src_m, dst_m, n_acc, chunks_per_w):
    n, d = x.shape
    stripe = n_acc // NS
    assert stripe % CH == 0
    assert chunks_per_w % 4 == 0
    half = chunks_per_w // 2
    pairs = half // 2

    mesh = plsc.VectorSubcoreMesh(core_axis_name="c", subcore_axis_name="s")

    @functools.partial(
        pl.kernel,
        out_type=jax.ShapeDtypeStruct((NC, n_acc, d), jnp.float32),
        mesh=mesh,
        scratch_types=[
            pltpu.VMEM((half, CH), jnp.int32),
            pltpu.VMEM((half, CH), jnp.int32),
            pltpu.VMEM((CH, d), jnp.float32),
            pltpu.VMEM((CH, d), jnp.float32),
            pltpu.VMEM_SHARED((n_acc, d), jnp.float32),
            pltpu.SemaphoreType.DMA,
            pltpu.SemaphoreType.DMA,
        ],
    )
    def k(x_hbm, srcm_hbm, dstm_hbm, out_hbm, src_v, dst_v, rows0, rows1, acc, sem0, sem1):
        c = lax.axis_index("c")
        s = lax.axis_index("s")
        wid = s * NC + c

        def stage(h):
            base = wid * chunks_per_w + h * half
            pltpu.sync_copy(srcm_hbm.at[pl.ds(base, half), :], src_v)
            pltpu.sync_copy(dstm_hbm.at[pl.ds(base, half), :], dst_v)

        with jax.named_scope("stage_idx"):
            stage(0)
        pltpu.async_copy(x_hbm.at[src_v.at[0]], rows0, sem0)

        zvec = jnp.zeros((16,), jnp.float32)

        with jax.named_scope("zero_acc"):
            def zrow(r, _):
                for cc in range(d // 16):
                    rows1[r, pl.ds(cc * 16, 16)] = zvec
                return 0

            lax.fori_loop(0, CH, zrow, 0)

            def zcopy(r, _):
                pltpu.sync_copy(rows1, acc.at[pl.ds(s * stripe + r * CH, CH), :])
                return 0

            lax.fori_loop(0, stripe // CH, zcopy, 0)
            plsc.subcore_barrier()

        for h in range(2):
            if h:
                with jax.named_scope("stage_idx"):
                    stage(h)
                pltpu.async_copy(x_hbm.at[src_v.at[0]], rows0, sem0)

            def pair(g, _):
                j0 = 2 * g
                pltpu.async_copy(x_hbm.at[src_v.at[j0 + 1]], rows1, sem1)
                pltpu.make_async_copy(x_hbm.at[src_v.at[j0]], rows0, sem0).wait()
                pltpu.sync_copy(rows0, acc.at[dst_v.at[j0]], add=True)

                @pl.when(g + 1 < pairs)
                def _():
                    pltpu.async_copy(x_hbm.at[src_v.at[j0 + 2]], rows0, sem0)

                pltpu.make_async_copy(x_hbm.at[src_v.at[j0 + 1]], rows1, sem1).wait()
                pltpu.sync_copy(rows1, acc.at[dst_v.at[j0 + 1]], add=True)
                return 0

            with jax.named_scope("edge_loop"):
                lax.fori_loop(0, pairs, pair, 0)
        plsc.subcore_barrier()

        with jax.named_scope("writeout"):
            pltpu.sync_copy(
                acc.at[pl.ds(s * stripe, stripe), :],
                out_hbm.at[c, pl.ds(s * stripe, stripe), :],
            )

    return k(x, src_m, dst_m)


def _tc_pad_indices(edge_index, n, rows_pad):
    e = edge_index.shape[1]
    rows_in = e // CH
    br = 320
    blocks = rows_pad // br
    max_in_block = -(-e // (br * CH)) - 1

    def body(e_ref, s_ref, d_ref):
        i = pl.program_id(0)
        rows = jax.lax.broadcasted_iota(jnp.int32, (br, CH), 0) + i * br
        lane = jax.lax.broadcasted_iota(jnp.int32, (br, CH), 1)
        valid = rows < rows_in
        pad_src = (rows * CH + lane) % n
        pad_dst = n + lane
        esrc = e_ref[0].reshape(br, CH)
        edst = e_ref[1].reshape(br, CH)
        s_ref[...] = jnp.where(valid, esrc, pad_src)
        d_ref[...] = jnp.where(valid, edst, pad_dst)

    return pl.pallas_call(
        body,
        grid=(blocks,),
        in_specs=[
            pl.BlockSpec((2, br * CH), lambda i: (0, jnp.minimum(i, max_in_block)))
        ],
        out_specs=[
            pl.BlockSpec((br, CH), lambda i: (i, 0)),
            pl.BlockSpec((br, CH), lambda i: (i, 0)),
        ],
        out_shape=[
            jax.ShapeDtypeStruct((rows_pad, CH), jnp.int32),
            jax.ShapeDtypeStruct((rows_pad, CH), jnp.int32),
        ],
    )(edge_index)


def _tc_combine_matmul(partials, W, b, n, block_rows):
    d_in = partials.shape[-1]
    d_out = W.shape[0]
    grid = (n // block_rows,)

    def body(p_ref, w_ref, b_ref, o_ref):
        ssum = p_ref[0] + p_ref[1]
        o_ref[...] = (
            lax.dot_general(
                ssum, w_ref[...], (((1,), (1,)), ((), ())),
                preferred_element_type=jnp.float32,
            )
            + b_ref[...]
        )

    return pl.pallas_call(
        body,
        grid=grid,
        in_specs=[
            pl.BlockSpec((NC, block_rows, d_in), lambda i: (0, i, 0)),
            pl.BlockSpec((d_out, d_in), lambda i: (0, 0)),
            pl.BlockSpec((1, d_out), lambda i: (0, 0)),
        ],
        out_specs=pl.BlockSpec((block_rows, d_out), lambda i: (i, 0)),
        out_shape=jax.ShapeDtypeStruct((n, d_out), jnp.float32),
    )(partials, W, b.reshape(1, d_out))


def kernel(x, edge_index, W, b):
    n, d = x.shape
    e = edge_index.shape[1]

    chunks_per_w = -(-e // (NW * CH * 8)) * 8
    e_pad = NW * CH * chunks_per_w

    n_acc = -(-(n + CH) // (16 * NS)) * (16 * NS)

    src_m, dst_m = _tc_pad_indices(edge_index, n, e_pad // CH)

    partials = _sc_aggregate(x, src_m, dst_m, n_acc, chunks_per_w)

    block_rows = 2000 if n % 2000 == 0 else (400 if n % 400 == 0 else 16)
    return _tc_combine_matmul(partials, W, b, n, block_rows)

# --- scband reference (transcript-rebuilt; emitter-appended) ---
"""Pipeline reference for scband-gcnsingle-layer-82248623718915 (READ-ONLY COPY).

The authoritative reference and input builder live on the scoring server;
editing this copy changes nothing except your own understanding.
"""

import jax, jax.numpy as jnp
import numpy as np

N = 10000
E = 320000
D_IN = 128
D_OUT = 128


def setup_inputs(seed: int = 0) -> dict:
    key = jax.random.key(seed)
    k1, k2, k3 = jax.random.split(key, 3)
    x = jax.random.normal(k1, (N, D_IN), dtype=jnp.float32)
    edge_index = jax.random.randint(k2, (2, E), 0, N, dtype=jnp.int32)
    # GCNConv linear weight [out_channels, in_channels], glorot-style init; bias init is zeros_ per module
    W = jax.random.normal(k3, (D_OUT, D_IN), dtype=jnp.float32) * float(np.sqrt(2.0 / (D_IN + D_OUT)))
    b = jnp.zeros((D_OUT,), dtype=jnp.float32)
    return {"x": x, "edge_index": edge_index, "W": W, "b": b}


def reference(x, edge_index, W, b):
    # PyG GCNConv with normalize=False, add_self_loops=False:
    #   h = Linear(x) (no bias inside linear)
    #   out[i] = sum_{(j->i) in edges} h[j]   (sum aggregation, no edge weights)
    #   out = out + bias
    h = x @ W.T
    src = edge_index[0]
    dst = edge_index[1]
    msgs = jnp.take(h, src, axis=0)
    out = jax.ops.segment_sum(msgs, dst, num_segments=N)
    return out + b

if __name__ == "__main__":
    import jax
    _d = setup_inputs()
    print(jax.jit(kernel)(*tuple(_d.values())))

</pallas_src>

<mosaic_0001>
#map = affine_map<(d0, d1) -> (0, 0)>
#map1 = affine_map<(d0, d1) -> (0, 0, 0)>
module attributes {stable_mosaic.version = 14 : i64} {
  func.func @k(%arg0: i32, %arg1: i32, %arg2: memref<10000x128xf32, #tpu.memory_space<hbm>>, %arg3: memref<2560x128xi32, #tpu.memory_space<hbm>>, %arg4: memref<2560x128xi32, #tpu.memory_space<hbm>>, %arg5: memref<2x10240x128xf32, #tpu.memory_space<hbm>>, %arg6: memref<40x128xi32, #tpu.memory_space<vmem>>, %arg7: memref<40x128xi32, #tpu.memory_space<vmem>>, %arg8: memref<128x128xf32, #tpu.memory_space<vmem>>, %arg9: memref<128x128xf32, #tpu.memory_space<vmem>>, %arg10: memref<10240x128xf32, #tpu.memory_space<vmem_shared>>, %arg11: memref<!tpu.dma_semaphore, #tpu.memory_space<semaphore_mem>>, %arg12: memref<!tpu.dma_semaphore, #tpu.memory_space<semaphore_mem>>) attributes {dimension_semantics = [#tpu.dimension_semantics<core_parallel>, #tpu.dimension_semantics<subcore_parallel>], iteration_bounds = array<i64: 2, 16>, scalar_prefetch = 0 : i64, scratch_operands = 7 : i64, tpu.core_type = #tpu.core_type<sc_vector_subcore>, window_params = [{transform_indices = #map}, {transform_indices = #map}, {transform_indices = #map}, {transform_indices = #map1}]} {
    %mul3A = arith.constant 2 : i32
    %mul3A_0 = arith.muli %arg1, %mul3A : i32
    %add3A = arith.addi %mul3A_0, %arg0 : i32
    "tpu.trace_start"() <{level = 10 : i32, message = "stage_idx"}> : () -> ()
    %mul3A_1 = arith.constant 80 : i32
    %mul3A_2 = arith.muli %add3A, %mul3A_1 : i32
    %add3A_3 = arith.constant 0 : i32
    %add3A_4 = arith.addi %mul3A_2, %add3A_3 : i32
    "tpu.region"() ({
      %run_scoped3A = tpu.sem_alloc : memref<!tpu.dma_semaphore, #tpu.memory_space<semaphore_mem>>
      %dma_start3A_55 = arith.constant 0 : i32
      %dma_start3A_56 = tpu.memref_slice %arg3[%add3A_4, %dma_start3A_55] : memref<2560x128xi32, #tpu.memory_space<hbm>> -> memref<40x128xi32, #tpu.memory_space<hbm>>
      %dma_start3A_57 = arith.constant 0 : i32
      %dma_start3A_58 = tpu.memref_slice %arg3[%add3A_4, %dma_start3A_57] : memref<2560x128xi32, #tpu.memory_space<hbm>> -> memref<40x128xi32, #tpu.memory_space<hbm>>
      tpu.enqueue_dma source(%dma_start3A_58 : memref<40x128xi32, #tpu.memory_space<hbm>>) target(%arg6 : memref<40x128xi32, #tpu.memory_space<vmem>>) target_semaphore(%run_scoped3A : memref<!tpu.dma_semaphore, #tpu.memory_space<semaphore_mem>>)
      %dma_wait3A = arith.constant 0 : i32
      %dma_wait3A_59 = tpu.memref_slice %arg3[%add3A_4, %dma_wait3A] : memref<2560x128xi32, #tpu.memory_space<hbm>> -> memref<40x128xi32, #tpu.memory_space<hbm>>
      %dma_wait3A_60 = arith.constant 0 : i32
      %dma_wait3A_61 = tpu.memref_slice %arg3[%add3A_4, %dma_wait3A_60] : memref<2560x128xi32, #tpu.memory_space<hbm>> -> memref<40x128xi32, #tpu.memory_space<hbm>>
      tpu.wait_dma2 semaphore(%run_scoped3A : memref<!tpu.dma_semaphore, #tpu.memory_space<semaphore_mem>>) src(%dma_wait3A_61 : memref<40x128xi32, #tpu.memory_space<hbm>>) dst(%arg6 : memref<40x128xi32, #tpu.memory_space<vmem>>)
      tpu.yield
    }) : () -> ()
    "tpu.region"() ({
      %run_scoped3A = tpu.sem_alloc : memref<!tpu.dma_semaphore, #tpu.memory_space<semaphore_mem>>
      %dma_start3A_55 = arith.constant 0 : i32
      %dma_start3A_56 = tpu.memref_slice %arg4[%add3A_4, %dma_start3A_55] : memref<2560x128xi32, #tpu.memory_space<hbm>> -> memref<40x128xi32, #tpu.memory_space<hbm>>
      %dma_start3A_57 = arith.constant 0 : i32
      %dma_start3A_58 = tpu.memref_slice %arg4[%add3A_4, %dma_start3A_57] : memref<2560x128xi32, #tpu.memory_space<hbm>> -> memref<40x128xi32, #tpu.memory_space<hbm>>
      tpu.enqueue_dma source(%dma_start3A_58 : memref<40x128xi32, #tpu.memory_space<hbm>>) target(%arg7 : memref<40x128xi32, #tpu.memory_space<vmem>>) target_semaphore(%run_scoped3A : memref<!tpu.dma_semaphore, #tpu.memory_space<semaphore_mem>>)
      %dma_wait3A = arith.constant 0 : i32
      %dma_wait3A_59 = tpu.memref_slice %arg4[%add3A_4, %dma_wait3A] : memref<2560x128xi32, #tpu.memory_space<hbm>> -> memref<40x128xi32, #tpu.memory_space<hbm>>
      %dma_wait3A_60 = arith.constant 0 : i32
      %dma_wait3A_61 = tpu.memref_slice %arg4[%add3A_4, %dma_wait3A_60] : memref<2560x128xi32, #tpu.memory_space<hbm>> -> memref<40x128xi32, #tpu.memory_space<hbm>>
      tpu.wait_dma2 semaphore(%run_scoped3A : memref<!tpu.dma_semaphore, #tpu.memory_space<semaphore_mem>>) src(%dma_wait3A_61 : memref<40x128xi32, #tpu.memory_space<hbm>>) dst(%arg7 : memref<40x128xi32, #tpu.memory_space<vmem>>)
      tpu.yield
    }) : () -> ()
    %dma_start3A = arith.constant 0 : i32
    "tpu.trace_stop"() : () -> ()
    %dma_start3A_5 = arith.constant 0 : i32
    %dma_start3A_6 = tpu.memref_slice %arg6[%dma_start3A, %dma_start3A_5] : memref<40x128xi32, #tpu.memory_space<vmem>> -> memref<1x128xi32, #tpu.memory_space<vmem>>
    %dma_start3A_7 = tpu.memref_squeeze %dma_start3A_6 : memref<1x128xi32, #tpu.memory_space<vmem>> -> memref<128xi32, #tpu.memory_space<vmem>>
    %dma_start3A_8 = arith.constant 0 : i32
    %dma_start3A_9 = arith.constant 0 : i32
    %dma_start3A_10 = tpu.memref_slice %arg2[%dma_start3A_8, %dma_start3A_9] : memref<10000x128xf32, #tpu.memory_space<hbm>> -> memref<10000x128xf32, #tpu.memory_space<hbm>>
    tpu.enqueue_indirect_dma source(%dma_start3A_10 : memref<10000x128xf32, #tpu.memory_space<hbm>>) target(%arg8 : memref<128x128xf32, #tpu.memory_space<vmem>>) offsets(%dma_start3A_7 : memref<128xi32, #tpu.memory_space<vmem>>) semaphore(%arg11 : memref<!tpu.dma_semaphore, #tpu.memory_space<semaphore_mem>>)
    %broadcast_in_dim3A = arith.constant 0.000000e+00 : f32
    %broadcast_in_dim3A_11 = vector.broadcast %broadcast_in_dim3A : f32 to vector<16xf32>
    "tpu.trace_start"() <{level = 10 : i32, message = "zero_acc"}> : () -> ()
    %scan3A = arith.constant 0 : i32
    %scan3A_12 = arith.constant 0 : i32
    %scan3A_13 = arith.constant 128 : i32
    %scan3A_14 = arith.addi %scan3A_12, %scan3A_13 : i32
    %scan3A_15 = arith.constant 1 : i32
    %scan3A_16 = scf.for %scan3A_55 = %scan3A_12 to %scan3A_14 step %scan3A_15 iter_args(%scan3A_56 = %scan3A) -> (i32)  : i32 {
      %swap3A = arith.index_cast %scan3A_55 : i32 to index
      %swap3A_57 = arith.constant 0 : index
      %swap3A_58 = tpu.vector_load %arg9[%swap3A, %swap3A_57] {strides = array<i32>} : memref<128x128xf32, #tpu.memory_space<vmem>>, vector<1x16xf32>,
      %swap3A_59 = vector.shape_cast %swap3A_58 : vector<1x16xf32> to vector<16xf32>
      %swap3A_60 = vector.shape_cast %broadcast_in_dim3A_11 : vector<16xf32> to vector<1x16xf32>
      tpu.vector_store %arg9[%swap3A, %swap3A_57], %swap3A_60 {strides = array<i32>} : memref<128x128xf32, #tpu.memory_space<vmem>>, vector<1x16xf32>,
      %swap3A_61 = arith.index_cast %scan3A_55 : i32 to index
      %swap3A_62 = arith.constant 16 : index
      %swap3A_63 = tpu.vector_load %arg9[%swap3A_61, %swap3A_62] {strides = array<i32>} : memref<128x128xf32, #tpu.memory_space<vmem>>, vector<1x16xf32>,
      %swap3A_64 = vector.shape_cast %swap3A_63 : vector<1x16xf32> to vector<16xf32>
      %swap3A_65 = vector.shape_cast %broadcast_in_dim3A_11 : vector<16xf32> to vector<1x16xf32>
      tpu.vector_store %arg9[%swap3A_61, %swap3A_62], %swap3A_65 {strides = array<i32>} : memref<128x128xf32, #tpu.memory_space<vmem>>, vector<1x16xf32>,
      %swap3A_66 = arith.index_cast %scan3A_55 : i32 to index
      %swap3A_67 = arith.constant 32 : index
      %swap3A_68 = tpu.vector_load %arg9[%swap3A_66, %swap3A_67] {strides = array<i32>} : memref<128x128xf32, #tpu.memory_space<vmem>>, vector<1x16xf32>,
      %swap3A_69 = vector.shape_cast %swap3A_68 : vector<1x16xf32> to vector<16xf32>
      %swap3A_70 = vector.shape_cast %broadcast_in_dim3A_11 : vector<16xf32> to vector<1x16xf32>
      tpu.vector_store %arg9[%swap3A_66, %swap3A_67], %swap3A_70 {strides = array<i32>} : memref<128x128xf32, #tpu.memory_space<vmem>>, vector<1x16xf32>,
      %swap3A_71 = arith.index_cast %scan3A_55 : i32 to index
      %swap3A_72 = arith.constant 48 : index
      %swap3A_73 = tpu.vector_load %arg9[%swap3A_71, %swap3A_72] {strides = array<i32>} : memref<128x128xf32, #tpu.memory_space<vmem>>, vector<1x16xf32>,
      %swap3A_74 = vector.shape_cast %swap3A_73 : vector<1x16xf32> to vector<16xf32>
      %swap3A_75 = vector.shape_cast %broadcast_in_dim3A_11 : vector<16xf32> to vector<1x16xf32>
      tpu.vector_store %arg9[%swap3A_71, %swap3A_72], %swap3A_75 {strides = array<i32>} : memref<128x128xf32, #tpu.memory_space<vmem>>, vector<1x16xf32>,
      %swap3A_76 = arith.index_cast %scan3A_55 : i32 to index
      %swap3A_77 = arith.constant 64 : index
      %swap3A_78 = tpu.vector_load %arg9[%swap3A_76, %swap3A_77] {strides = array<i32>} : memref<128x128xf32, #tpu.memory_space<vmem>>, vector<1x16xf32>,
      %swap3A_79 = vector.shape_cast %swap3A_78 : vector<1x16xf32> to vector<16xf32>
      %swap3A_80 = vector.shape_cast %broadcast_in_dim3A_11 : vector<16xf32> to vector<1x16xf32>
      tpu.vector_store %arg9[%swap3A_76, %swap3A_77], %swap3A_80 {strides = array<i32>} : memref<128x128xf32, #tpu.memory_space<vmem>>, vector<1x16xf32>,
      %swap3A_81 = arith.index_cast %scan3A_55 : i32 to index
      %swap3A_82 = arith.constant 80 : index
      %swap3A_83 = tpu.vector_load %arg9[%swap3A_81, %swap3A_82] {strides = array<i32>} : memref<128x128xf32, #tpu.memory_space<vmem>>, vector<1x16xf32>,
      %swap3A_84 = vector.shape_cast %swap3A_83 : vector<1x16xf32> to vector<16xf32>
      %swap3A_85 = vector.shape_cast %broadcast_in_dim3A_11 : vector<16xf32> to vector<1x16xf32>
      tpu.vector_store %arg9[%swap3A_81, %swap3A_82], %swap3A_85 {strides = array<i32>} : memref<128x128xf32, #tpu.memory_space<vmem>>, vector<1x16xf32>,
      %swap3A_86 = arith.index_cast %scan3A_55 : i32 to index
      %swap3A_87 = arith.constant 96 : index
      %swap3A_88 = tpu.vector_load %arg9[%swap3A_86, %swap3A_87] {strides = array<i32>} : memref<128x128xf32, #tpu.memory_space<vmem>>, vector<1x16xf32>,
      %swap3A_89 = vector.shape_cast %swap3A_88 : vector<1x16xf32> to vector<16xf32>
      %swap3A_90 = vector.shape_cast %broadcast_in_dim3A_11 : vector<16xf32> to vector<1x16xf32>
      tpu.vector_store %arg9[%swap3A_86, %swap3A_87], %swap3A_90 {strides = array<i32>} : memref<128x128xf32, #tpu.memory_space<vmem>>, vector<1x16xf32>,
      %swap3A_91 = arith.index_cast %scan3A_55 : i32 to index
      %swap3A_92 = arith.constant 112 : index
      %swap3A_93 = tpu.vector_load %arg9[%swap3A_91, %swap3A_92] {strides = array<i32>} : memref<128x128xf32, #tpu.memory_space<vmem>>, vector<1x16xf32>,
      %swap3A_94 = vector.shape_cast %swap3A_93 : vector<1x16xf32> to vector<16xf32>
      %swap3A_95 = vector.shape_cast %broadcast_in_dim3A_11 : vector<16xf32> to vector<1x16xf32>
      tpu.vector_store %arg9[%swap3A_91, %swap3A_92], %swap3A_95 {strides = array<i32>} : memref<128x128xf32, #tpu.memory_space<vmem>>, vector<1x16xf32>,
      %scan3A_96 = arith.constant 0 : i32
      scf.yield %scan3A_96 : i32
    }
    %scan3A_17 = arith.constant 128 : i32
    %scan3A_18 = arith.constant 0 : i32
    %scan3A_19 = arith.constant 0 : i32
    %scan3A_20 = arith.constant 5 : i32
    %scan3A_21 = arith.addi %scan3A_19, %scan3A_20 : i32
    %scan3A_22 = arith.constant 1 : i32
    %scan3A_23 = scf.for %scan3A_55 = %scan3A_19 to %scan3A_21 step %scan3A_22 iter_args(%scan3A_56 = %scan3A_18) -> (i32)  : i32 {
      %mul3A_57 = arith.constant 640 : i32
      %mul3A_58 = arith.muli %arg1, %mul3A_57 : i32
      %mul3A_59 = arith.constant 128 : i32
      %mul3A_60 = arith.muli %scan3A_55, %mul3A_59 : i32
      %add3A_61 = arith.addi %mul3A_58, %mul3A_60 : i32
      "tpu.region"() ({
        %run_scoped3A = tpu.sem_alloc : memref<!tpu.dma_semaphore, #tpu.memory_space<semaphore_mem>>
        %dma_start3A_63 = arith.constant 0 : i32
        %dma_start3A_64 = tpu.memref_slice %arg10[%add3A_61, %dma_start3A_63] : memref<10240x128xf32, #tpu.memory_space<vmem_shared>> -> memref<128x128xf32, #tpu.memory_space<vmem_shared>>
        %dma_start3A_65 = arith.constant 0 : i32
        %dma_start3A_66 = tpu.memref_slice %arg10[%add3A_61, %dma_start3A_65] : memref<10240x128xf32, #tpu.memory_space<vmem_shared>> -> memref<128x128xf32, #tpu.memory_space<vmem_shared>>
        tpu.enqueue_dma source(%arg9 : memref<128x128xf32, #tpu.memory_space<vmem>>) target(%dma_start3A_66 : memref<128x128xf32, #tpu.memory_space<vmem_shared>>) target_semaphore(%run_scoped3A : memref<!tpu.dma_semaphore, #tpu.memory_space<semaphore_mem>>)
        %dma_wait3A = arith.constant 0 : i32
        %dma_wait3A_67 = tpu.memref_slice %arg10[%add3A_61, %dma_wait3A] : memref<10240x128xf32, #tpu.memory_space<vmem_shared>> -> memref<128x128xf32, #tpu.memory_space<vmem_shared>>
        %dma_wait3A_68 = arith.constant 0 : i32
        %dma_wait3A_69 = tpu.memref_slice %arg10[%add3A_61, %dma_wait3A_68] : memref<10240x128xf32, #tpu.memory_space<vmem_shared>> -> memref<128x128xf32, #tpu.memory_space<vmem_shared>>
        tpu.wait_dma2 semaphore(%run_scoped3A : memref<!tpu.dma_semaphore, #tpu.memory_space<semaphore_mem>>) src(%arg9 : memref<128x128xf32, #tpu.memory_space<vmem>>) dst(%dma_wait3A_69 : memref<128x128xf32, #tpu.memory_space<vmem_shared>>)
        tpu.yield
      }) : () -> ()
      %scan3A_62 = arith.constant 0 : i32
      scf.yield %scan3A_62 : i32
    }
    %scan3A_24 = arith.constant 5 : i32
    %barrier3A = arith.constant 0 : index
    tpu.barrier barrier_id(%barrier3A)
    "tpu.trace_stop"() : () -> ()
    "tpu.trace_start"() <{level = 10 : i32, message = "edge_loop"}> : () -> ()
    %scan3A_25 = arith.constant 0 : i32
    %scan3A_26 = arith.constant 0 : i32
    %scan3A_27 = arith.constant 20 : i32
    %scan3A_28 = arith.addi %scan3A_26, %scan3A_27 : i32
    %scan3A_29 = arith.constant 1 : i32
    %scan3A_30 = scf.for %scan3A_55 = %scan3A_26 to %scan3A_28 step %scan3A_29 iter_args(%scan3A_56 = %scan3A_25) -> (i32)  : i32 {
      %mul3A_57 = arith.constant 2 : i32
      %mul3A_58 = arith.muli %mul3A_57, %scan3A_55 : i32
      %add3A_59 = arith.constant 1 : i32
      %add3A_60 = arith.addi %mul3A_58, %add3A_59 : i32
      %dma_start3A_61 = arith.constant 0 : i32
      %dma_start3A_62 = tpu.memref_slice %arg6[%add3A_60, %dma_start3A_61] : memref<40x128xi32, #tpu.memory_space<vmem>> -> memref<1x128xi32, #tpu.memory_space<vmem>>
      %dma_start3A_63 = tpu.memref_squeeze %dma_start3A_62 : memref<1x128xi32, #tpu.memory_space<vmem>> -> memref<128xi32, #tpu.memory_space<vmem>>
      %dma_start3A_64 = arith.constant 0 : i32
      %dma_start3A_65 = arith.constant 0 : i32
      %dma_start3A_66 = tpu.memref_slice %arg2[%dma_start3A_64, %dma_start3A_65] : memref<10000x128xf32, #tpu.memory_space<hbm>> -> memref<10000x128xf32, #tpu.memory_space<hbm>>
      tpu.enqueue_indirect_dma source(%dma_start3A_66 : memref<10000x128xf32, #tpu.memory_space<hbm>>) target(%arg9 : memref<128x128xf32, #tpu.memory_space<vmem>>) offsets(%dma_start3A_63 : memref<128xi32, #tpu.memory_space<vmem>>) semaphore(%arg12 : memref<!tpu.dma_semaphore, #tpu.memory_space<semaphore_mem>>)
      %dma_wait3A = arith.constant 0 : i32
      %dma_wait3A_67 = tpu.memref_slice %arg6[%mul3A_58, %dma_wait3A] : memref<40x128xi32, #tpu.memory_space<vmem>> -> memref<1x128xi32, #tpu.memory_space<vmem>>
      %dma_wait3A_68 = tpu.memref_squeeze %dma_wait3A_67 : memref<1x128xi32, #tpu.memory_space<vmem>> -> memref<128xi32, #tpu.memory_space<vmem>>
      %dma_wait3A_69 = arith.constant 0 : i32
      %dma_wait3A_70 = arith.constant 0 : i32
      %dma_wait3A_71 = tpu.memref_slice %arg2[%dma_wait3A_69, %dma_wait3A_70] : memref<10000x128xf32, #tpu.memory_space<hbm>> -> memref<10000x128xf32, #tpu.memory_space<hbm>>
      tpu.wait_indirect_dma semaphore(%arg11 : memref<!tpu.dma_semaphore, #tpu.memory_space<semaphore_mem>>) src(%dma_wait3A_71 : memref<10000x128xf32, #tpu.memory_space<hbm>>) dst(%arg8 : memref<128x128xf32, #tpu.memory_space<vmem>>)
      "tpu.region"() ({
        %run_scoped3A = tpu.sem_alloc : memref<!tpu.dma_semaphore, #tpu.memory_space<semaphore_mem>>
        %dma_start3A_87 = arith.constant 0 : i32
        %dma_start3A_88 = tpu.memref_slice %arg7[%mul3A_58, %dma_start3A_87] : memref<40x128xi32, #tpu.memory_space<vmem>> -> memref<1x128xi32, #tpu.memory_space<vmem>>
        %dma_start3A_89 = tpu.memref_squeeze %dma_start3A_88 : memref<1x128xi32, #tpu.memory_space<vmem>> -> memref<128xi32, #tpu.memory_space<vmem>>
        %dma_start3A_90 = arith.constant 0 : i32
        %dma_start3A_91 = arith.constant 0 : i32
        %dma_start3A_92 = tpu.memref_slice %arg10[%dma_start3A_90, %dma_start3A_91] : memref<10240x128xf32, #tpu.memory_space<vmem_shared>> -> memref<10240x128xf32, #tpu.memory_space<vmem_shared>>
        tpu.enqueue_indirect_dma source(%arg8 : memref<128x128xf32, #tpu.memory_space<vmem>>) target(%dma_start3A_92 : memref<10240x128xf32, #tpu.memory_space<vmem_shared>>) offsets(%dma_start3A_89 : memref<128xi32, #tpu.memory_space<vmem>>) semaphore(%run_scoped3A : memref<!tpu.dma_semaphore, #tpu.memory_space<semaphore_mem>>) {add = true}
        %dma_wait3A_93 = arith.constant 0 : i32
        %dma_wait3A_94 = tpu.memref_slice %arg7[%mul3A_58, %dma_wait3A_93] : memref<40x128xi32, #tpu.memory_space<vmem>> -> memref<1x128xi32, #tpu.memory_space<vmem>>
        %dma_wait3A_95 = tpu.memref_squeeze %dma_wait3A_94 : memref<1x128xi32, #tpu.memory_space<vmem>> -> memref<128xi32, #tpu.memory_space<vmem>>
        %dma_wait3A_96 = arith.constant 0 : i32
        %dma_wait3A_97 = arith.constant 0 : i32
        %dma_wait3A_98 = tpu.memref_slice %arg10[%dma_wait3A_96, %dma_wait3A_97] : memref<10240x128xf32, #tpu.memory_space<vmem_shared>> -> memref<10240x128xf32, #tpu.memory_space<vmem_shared>>
        tpu.wait_indirect_dma semaphore(%run_scoped3A : memref<!tpu.dma_semaphore, #tpu.memory_space<semaphore_mem>>) src(%arg8 : memref<128x128xf32, #tpu.memory_space<vmem>>) dst(%dma_wait3A_98 : memref<10240x128xf32, #tpu.memory_space<vmem_shared>>)
        tpu.yield
      }) : () -> ()
      %add3A_72 = arith.constant 1 : i32
      %add3A_73 = arith.addi %scan3A_55, %add3A_72 : i32
      %lt3A = arith.constant 20 : i32
      %lt3A_74 = arith.cmpi slt, %add3A_73, %lt3A : i32
      %convert_element_type3A = arith.extui %lt3A_74 : i1 to i32
      %cond3A = arith.constant 0 : i32
      %cond3A_75 = arith.cmpi ne, %convert_element_type3A, %cond3A : i32
      scf.if %cond3A_75 {
        %add3A_87 = arith.constant 2 : i32
        %add3A_88 = arith.addi %mul3A_58, %add3A_87 : i32
        %dma_start3A_89 = arith.constant 0 : i32
        %dma_start3A_90 = tpu.memref_slice %arg6[%add3A_88, %dma_start3A_89] : memref<40x128xi32, #tpu.memory_space<vmem>> -> memref<1x128xi32, #tpu.memory_space<vmem>>
        %dma_start3A_91 = tpu.memref_squeeze %dma_start3A_90 : memref<1x128xi32, #tpu.memory_space<vmem>> -> memref<128xi32, #tpu.memory_space<vmem>>
        %dma_start3A_92 = arith.constant 0 : i32
        %dma_start3A_93 = arith.constant 0 : i32
        %dma_start3A_94 = tpu.memref_slice %arg2[%dma_start3A_92, %dma_start3A_93] : memref<10000x128xf32, #tpu.memory_space<hbm>> -> memref<10000x128xf32, #tpu.memory_space<hbm>>
        tpu.enqueue_indirect_dma source(%dma_start3A_94 : memref<10000x128xf32, #tpu.memory_space<hbm>>) target(%arg8 : memref<128x128xf32, #tpu.memory_space<vmem>>) offsets(%dma_start3A_91 : memref<128xi32, #tpu.memory_space<vmem>>) semaphore(%arg11 : memref<!tpu.dma_semaphore, #tpu.memory_space<semaphore_mem>>)
      } else {
      }
      %add3A_76 = arith.constant 1 : i32
      %add3A_77 = arith.addi %mul3A_58, %add3A_76 : i32
      %dma_wait3A_78 = arith.constant 0 : i32
      %dma_wait3A_79 = tpu.memref_slice %arg6[%add3A_77, %dma_wait3A_78] : memref<40x128xi32, #tpu.memory_space<vmem>> -> memref<1x128xi32, #tpu.memory_space<vmem>>
      %dma_wait3A_80 = tpu.memref_squeeze %dma_wait3A_79 : memref<1x128xi32, #tpu.memory_space<vmem>> -> memref<128xi32, #tpu.memory_space<vmem>>
      %dma_wait3A_81 = arith.constant 0 : i32
      %dma_wait3A_82 = arith.constant 0 : i32
      %dma_wait3A_83 = tpu.memref_slice %arg2[%dma_wait3A_81, %dma_wait3A_82] : memref<10000x128xf32, #tpu.memory_space<hbm>> -> memref<10000x128xf32, #tpu.memory_space<hbm>>
      tpu.wait_indirect_dma semaphore(%arg12 : memref<!tpu.dma_semaphore, #tpu.memory_space<semaphore_mem>>) src(%dma_wait3A_83 : memref<10000x128xf32, #tpu.memory_space<hbm>>) dst(%arg9 : memref<128x128xf32, #tpu.memory_space<vmem>>)
      %add3A_84 = arith.constant 1 : i32
      %add3A_85 = arith.addi %mul3A_58, %add3A_84 : i32
      "tpu.region"() ({
        %run_scoped3A = tpu.sem_alloc : memref<!tpu.dma_semaphore, #tpu.memory_space<semaphore_mem>>
        %dma_start3A_87 = arith.constant 0 : i32
        %dma_start3A_88 = tpu.memref_slice %arg7[%add3A_85, %dma_start3A_87] : memref<40x128xi32, #tpu.memory_space<vmem>> -> memref<1x128xi32, #tpu.memory_space<vmem>>
        %dma_start3A_89 = tpu.memref_squeeze %dma_start3A_88 : memref<1x128xi32, #tpu.memory_space<vmem>> -> memref<128xi32, #tpu.memory_space<vmem>>
        %dma_start3A_90 = arith.constant 0 : i32
        %dma_start3A_91 = arith.constant 0 : i32
        %dma_start3A_92 = tpu.memref_slice %arg10[%dma_start3A_90, %dma_start3A_91] : memref<10240x128xf32, #tpu.memory_space<vmem_shared>> -> memref<10240x128xf32, #tpu.memory_space<vmem_shared>>
        tpu.enqueue_indirect_dma source(%arg9 : memref<128x128xf32, #tpu.memory_space<vmem>>) target(%dma_start3A_92 : memref<10240x128xf32, #tpu.memory_space<vmem_shared>>) offsets(%dma_start3A_89 : memref<128xi32, #tpu.memory_space<vmem>>) semaphore(%run_scoped3A : memref<!tpu.dma_semaphore, #tpu.memory_space<semaphore_mem>>) {add = true}
        %dma_wait3A_93 = arith.constant 0 : i32
        %dma_wait3A_94 = tpu.memref_slice %arg7[%add3A_85, %dma_wait3A_93] : memref<40x128xi32, #tpu.memory_space<vmem>> -> memref<1x128xi32, #tpu.memory_space<vmem>>
        %dma_wait3A_95 = tpu.memref_squeeze %dma_wait3A_94 : memref<1x128xi32, #tpu.memory_space<vmem>> -> memref<128xi32, #tpu.memory_space<vmem>>
        %dma_wait3A_96 = arith.constant 0 : i32
        %dma_wait3A_97 = arith.constant 0 : i32
        %dma_wait3A_98 = tpu.memref_slice %arg10[%dma_wait3A_96, %dma_wait3A_97] : memref<10240x128xf32, #tpu.memory_space<vmem_shared>> -> memref<10240x128xf32, #tpu.memory_space<vmem_shared>>
        tpu.wait_indirect_dma semaphore(%run_scoped3A : memref<!tpu.dma_semaphore, #tpu.memory_space<semaphore_mem>>) src(%arg9 : memref<128x128xf32, #tpu.memory_space<vmem>>) dst(%dma_wait3A_98 : memref<10240x128xf32, #tpu.memory_space<vmem_shared>>)
        tpu.yield
      }) : () -> ()
      %scan3A_86 = arith.constant 0 : i32
      scf.yield %scan3A_86 : i32
    }
    %scan3A_31 = arith.constant 20 : i32
    "tpu.trace_stop"() : () -> ()
    "tpu.trace_start"() <{level = 10 : i32, message = "stage_idx"}> : () -> ()
    %mul3A_32 = arith.constant 80 : i32
    %mul3A_33 = arith.muli %add3A, %mul3A_32 : i32
    %add3A_34 = arith.constant 40 : i32
    %add3A_35 = arith.addi %mul3A_33, %add3A_34 : i32
    "tpu.region"() ({
      %run_scoped3A = tpu.sem_alloc : memref<!tpu.dma_semaphore, #tpu.memory_space<semaphore_mem>>
      %dma_start3A_55 = arith.constant 0 : i32
      %dma_start3A_56 = tpu.memref_slice %arg3[%add3A_35, %dma_start3A_55] : memref<2560x128xi32, #tpu.memory_space<hbm>> -> memref<40x128xi32, #tpu.memory_space<hbm>>
      %dma_start3A_57 = arith.constant 0 : i32
      %dma_start3A_58 = tpu.memref_slice %arg3[%add3A_35, %dma_start3A_57] : memref<2560x128xi32, #tpu.memory_space<hbm>> -> memref<40x128xi32, #tpu.memory_space<hbm>>
      tpu.enqueue_dma source(%dma_start3A_58 : memref<40x128xi32, #tpu.memory_space<hbm>>) target(%arg6 : memref<40x128xi32, #tpu.memory_space<vmem>>) target_semaphore(%run_scoped3A : memref<!tpu.dma_semaphore, #tpu.memory_space<semaphore_mem>>)
      %dma_wait3A = arith.constant 0 : i32
      %dma_wait3A_59 = tpu.memref_slice %arg3[%add3A_35, %dma_wait3A] : memref<2560x128xi32, #tpu.memory_space<hbm>> -> memref<40x128xi32, #tpu.memory_space<hbm>>
      %dma_wait3A_60 = arith.constant 0 : i32
      %dma_wait3A_61 = tpu.memref_slice %arg3[%add3A_35, %dma_wait3A_60] : memref<2560x128xi32, #tpu.memory_space<hbm>> -> memref<40x128xi32, #tpu.memory_space<hbm>>
      tpu.wait_dma2 semaphore(%run_scoped3A : memref<!tpu.dma_semaphore, #tpu.memory_space<semaphore_mem>>) src(%dma_wait3A_61 : memref<40x128xi32, #tpu.memory_space<hbm>>) dst(%arg6 : memref<40x128xi32, #tpu.memory_space<vmem>>)
      tpu.yield
    }) : () -> ()
    "tpu.region"() ({
      %run_scoped3A = tpu.sem_alloc : memref<!tpu.dma_semaphore, #tpu.memory_space<semaphore_mem>>
      %dma_start3A_55 = arith.constant 0 : i32
      %dma_start3A_56 = tpu.memref_slice %arg4[%add3A_35, %dma_start3A_55] : memref<2560x128xi32, #tpu.memory_space<hbm>> -> memref<40x128xi32, #tpu.memory_space<hbm>>
      %dma_start3A_57 = arith.constant 0 : i32
      %dma_start3A_58 = tpu.memref_slice %arg4[%add3A_35, %dma_start3A_57] : memref<2560x128xi32, #tpu.memory_space<hbm>> -> memref<40x128xi32, #tpu.memory_space<hbm>>
      tpu.enqueue_dma source(%dma_start3A_58 : memref<40x128xi32, #tpu.memory_space<hbm>>) target(%arg7 : memref<40x128xi32, #tpu.memory_space<vmem>>) target_semaphore(%run_scoped3A : memref<!tpu.dma_semaphore, #tpu.memory_space<semaphore_mem>>)
      %dma_wait3A = arith.constant 0 : i32
      %dma_wait3A_59 = tpu.memref_slice %arg4[%add3A_35, %dma_wait3A] : memref<2560x128xi32, #tpu.memory_space<hbm>> -> memref<40x128xi32, #tpu.memory_space<hbm>>
      %dma_wait3A_60 = arith.constant 0 : i32
      %dma_wait3A_61 = tpu.memref_slice %arg4[%add3A_35, %dma_wait3A_60] : memref<2560x128xi32, #tpu.memory_space<hbm>> -> memref<40x128xi32, #tpu.memory_space<hbm>>
      tpu.wait_dma2 semaphore(%run_scoped3A : memref<!tpu.dma_semaphore, #tpu.memory_space<semaphore_mem>>) src(%dma_wait3A_61 : memref<40x128xi32, #tpu.memory_space<hbm>>) dst(%arg7 : memref<40x128xi32, #tpu.memory_space<vmem>>)
      tpu.yield
    }) : () -> ()
    %dma_start3A_36 = arith.constant 0 : i32
    "tpu.trace_stop"() : () -> ()
    %dma_start3A_37 = arith.constant 0 : i32
    %dma_start3A_38 = tpu.memref_slice %arg6[%dma_start3A_36, %dma_start3A_37] : memref<40x128xi32, #tpu.memory_space<vmem>> -> memref<1x128xi32, #tpu.memory_space<vmem>>
    %dma_start3A_39 = tpu.memref_squeeze %dma_start3A_38 : memref<1x128xi32, #tpu.memory_space<vmem>> -> memref<128xi32, #tpu.memory_space<vmem>>
    %dma_start3A_40 = arith.constant 0 : i32
    %dma_start3A_41 = arith.constant 0 : i32
    %dma_start3A_42 = tpu.memref_slice %arg2[%dma_start3A_40, %dma_start3A_41] : memref<10000x128xf32, #tpu.memory_space<hbm>> -> memref<10000x128xf32, #tpu.memory_space<hbm>>
    tpu.enqueue_indirect_dma source(%dma_start3A_42 : memref<10000x128xf32, #tpu.memory_space<hbm>>) target(%arg8 : memref<128x128xf32, #tpu.memory_space<vmem>>) offsets(%dma_start3A_39 : memref<128xi32, #tpu.memory_space<vmem>>) semaphore(%arg11 : memref<!tpu.dma_semaphore, #tpu.memory_space<semaphore_mem>>)
    "tpu.trace_start"() <{level = 10 : i32, message = "edge_loop"}> : () -> ()
    %scan3A_43 = arith.constant 0 : i32
    %scan3A_44 = arith.constant 0 : i32
    %scan3A_45 = arith.constant 20 : i32
    %scan3A_46 = arith.addi %scan3A_44, %scan3A_45 : i32
    %scan3A_47 = arith.constant 1 : i32
    %scan3A_48 = scf.for %scan3A_55 = %scan3A_44 to %scan3A_46 step %scan3A_47 iter_args(%scan3A_56 = %scan3A_43) -> (i32)  : i32 {
      %mul3A_57 = arith.constant 2 : i32
      %mul3A_58 = arith.muli %mul3A_57, %scan3A_55 : i32
      %add3A_59 = arith.constant 1 : i32
      %add3A_60 = arith.addi %mul3A_58, %add3A_59 : i32
      %dma_start3A_61 = arith.constant 0 : i32
      %dma_start3A_62 = tpu.memref_slice %arg6[%add3A_60, %dma_start3A_61] : memref<40x128xi32, #tpu.memory_space<vmem>> -> memref<1x128xi32, #tpu.memory_space<vmem>>
      %dma_start3A_63 = tpu.memref_squeeze %dma_start3A_62 : memref<1x128xi32, #tpu.memory_space<vmem>> -> memref<128xi32, #tpu.memory_space<vmem>>
      %dma_start3A_64 = arith.constant 0 : i32
      %dma_start3A_65 = arith.constant 0 : i32
      %dma_start3A_66 = tpu.memref_slice %arg2[%dma_start3A_64, %dma_start3A_65] : memref<10000x128xf32, #tpu.memory_space<hbm>> -> memref<10000x128xf32, #tpu.memory_space<hbm>>
      tpu.enqueue_indirect_dma source(%dma_start3A_66 : memref<10000x128xf32, #tpu.memory_space<hbm>>) target(%arg9 : memref<128x128xf32, #tpu.memory_space<vmem>>) offsets(%dma_start3A_63 : memref<128xi32, #tpu.memory_space<vmem>>) semaphore(%arg12 : memref<!tpu.dma_semaphore, #tpu.memory_space<semaphore_mem>>)
      %dma_wait3A = arith.constant 0 : i32
      %dma_wait3A_67 = tpu.memref_slice %arg6[%mul3A_58, %dma_wait3A] : memref<40x128xi32, #tpu.memory_space<vmem>> -> memref<1x128xi32, #tpu.memory_space<vmem>>
      %dma_wait3A_68 = tpu.memref_squeeze %dma_wait3A_67 : memref<1x128xi32, #tpu.memory_space<vmem>> -> memref<128xi32, #tpu.memory_space<vmem>>
      %dma_wait3A_69 = arith.constant 0 : i32
      %dma_wait3A_70 = arith.constant 0 : i32
      %dma_wait3A_71 = tpu.memref_slice %arg2[%dma_wait3A_69, %dma_wait3A_70] : memref<10000x128xf32, #tpu.memory_space<hbm>> -> memref<10000x128xf32, #tpu.memory_space<hbm>>
      tpu.wait_indirect_dma semaphore(%arg11 : memref<!tpu.dma_semaphore, #tpu.memory_space<semaphore_mem>>) src(%dma_wait3A_71 : memref<10000x128xf32, #tpu.memory_space<hbm>>) dst(%arg8 : memref<128x128xf32, #tpu.memory_space<vmem>>)
      "tpu.region"() ({
        %run_scoped3A = tpu.sem_alloc : memref<!tpu.dma_semaphore, #tpu.memory_space<semaphore_mem>>
        %dma_start3A_87 = arith.constant 0 : i32
        %dma_start3A_88 = tpu.memref_slice %arg7[%mul3A_58, %dma_start3A_87] : memref<40x128xi32, #tpu.memory_space<vmem>> -> memref<1x128xi32, #tpu.memory_space<vmem>>
        %dma_start3A_89 = tpu.memref_squeeze %dma_start3A_88 : memref<1x128xi32, #tpu.memory_space<vmem>> -> memref<128xi32, #tpu.memory_space<vmem>>
        %dma_start3A_90 = arith.constant 0 : i32
        %dma_start3A_91 = arith.constant 0 : i32
        %dma_start3A_92 = tpu.memref_slice %arg10[%dma_start3A_90, %dma_start3A_91] : memref<10240x128xf32, #tpu.memory_space<vmem_shared>> -> memref<10240x128xf32, #tpu.memory_space<vmem_shared>>
        tpu.enqueue_indirect_dma source(%arg8 : memref<128x128xf32, #tpu.memory_space<vmem>>) target(%dma_start3A_92 : memref<10240x128xf32, #tpu.memory_space<vmem_shared>>) offsets(%dma_start3A_89 : memref<128xi32, #tpu.memory_space<vmem>>) semaphore(%run_scoped3A : memref<!tpu.dma_semaphore, #tpu.memory_space<semaphore_mem>>) {add = true}
        %dma_wait3A_93 = arith.constant 0 : i32
        %dma_wait3A_94 = tpu.memref_slice %arg7[%mul3A_58, %dma_wait3A_93] : memref<40x128xi32, #tpu.memory_space<vmem>> -> memref<1x128xi32, #tpu.memory_space<vmem>>
        %dma_wait3A_95 = tpu.memref_squeeze %dma_wait3A_94 : memref<1x128xi32, #tpu.memory_space<vmem>> -> memref<128xi32, #tpu.memory_space<vmem>>
        %dma_wait3A_96 = arith.constant 0 : i32
        %dma_wait3A_97 = arith.constant 0 : i32
        %dma_wait3A_98 = tpu.memref_slice %arg10[%dma_wait3A_96, %dma_wait3A_97] : memref<10240x128xf32, #tpu.memory_space<vmem_shared>> -> memref<10240x128xf32, #tpu.memory_space<vmem_shared>>
        tpu.wait_indirect_dma semaphore(%run_scoped3A : memref<!tpu.dma_semaphore, #tpu.memory_space<semaphore_mem>>) src(%arg8 : memref<128x128xf32, #tpu.memory_space<vmem>>) dst(%dma_wait3A_98 : memref<10240x128xf32, #tpu.memory_space<vmem_shared>>)
        tpu.yield
      }) : () -> ()
      %add3A_72 = arith.constant 1 : i32
      %add3A_73 = arith.addi %scan3A_55, %add3A_72 : i32
      %lt3A = arith.constant 20 : i32
      %lt3A_74 = arith.cmpi slt, %add3A_73, %lt3A : i32
      %convert_element_type3A = arith.extui %lt3A_74 : i1 to i32
      %cond3A = arith.constant 0 : i32
      %cond3A_75 = arith.cmpi ne, %convert_element_type3A, %cond3A : i32
      scf.if %cond3A_75 {
        %add3A_87 = arith.constant 2 : i32
        %add3A_88 = arith.addi %mul3A_58, %add3A_87 : i32
        %dma_start3A_89 = arith.constant 0 : i32
        %dma_start3A_90 = tpu.memref_slice %arg6[%add3A_88, %dma_start3A_89] : memref<40x128xi32, #tpu.memory_space<vmem>> -> memref<1x128xi32, #tpu.memory_space<vmem>>
        %dma_start3A_91 = tpu.memref_squeeze %dma_start3A_90 : memref<1x128xi32, #tpu.memory_space<vmem>> -> memref<128xi32, #tpu.memory_space<vmem>>
        %dma_start3A_92 = arith.constant 0 : i32
        %dma_start3A_93 = arith.constant 0 : i32
        %dma_start3A_94 = tpu.memref_slice %arg2[%dma_start3A_92, %dma_start3A_93] : memref<10000x128xf32, #tpu.memory_space<hbm>> -> memref<10000x128xf32, #tpu.memory_space<hbm>>
        tpu.enqueue_indirect_dma source(%dma_start3A_94 : memref<10000x128xf32, #tpu.memory_space<hbm>>) target(%arg8 : memref<128x128xf32, #tpu.memory_space<vmem>>) offsets(%dma_start3A_91 : memref<128xi32, #tpu.memory_space<vmem>>) semaphore(%arg11 : memref<!tpu.dma_semaphore, #tpu.memory_space<semaphore_mem>>)
      } else {
      }
      %add3A_76 = arith.constant 1 : i32
      %add3A_77 = arith.addi %mul3A_58, %add3A_76 : i32
      %dma_wait3A_78 = arith.constant 0 : i32
      %dma_wait3A_79 = tpu.memref_slice %arg6[%add3A_77, %dma_wait3A_78] : memref<40x128xi32, #tpu.memory_space<vmem>> -> memref<1x128xi32, #tpu.memory_space<vmem>>
      %dma_wait3A_80 = tpu.memref_squeeze %dma_wait3A_79 : memref<1x128xi32, #tpu.memory_space<vmem>> -> memref<128xi32, #tpu.memory_space<vmem>>
      %dma_wait3A_81 = arith.constant 0 : i32
      %dma_wait3A_82 = arith.constant 0 : i32
      %dma_wait3A_83 = tpu.memref_slice %arg2[%dma_wait3A_81, %dma_wait3A_82] : memref<10000x128xf32, #tpu.memory_space<hbm>> -> memref<10000x128xf32, #tpu.memory_space<hbm>>
      tpu.wait_indirect_dma semaphore(%arg12 : memref<!tpu.dma_semaphore, #tpu.memory_space<semaphore_mem>>) src(%dma_wait3A_83 : memref<10000x128xf32, #tpu.memory_space<hbm>>) dst(%arg9 : memref<128x128xf32, #tpu.memory_space<vmem>>)
      %add3A_84 = arith.constant 1 : i32
      %add3A_85 = arith.addi %mul3A_58, %add3A_84 : i32
      "tpu.region"() ({
        %run_scoped3A = tpu.sem_alloc : memref<!tpu.dma_semaphore, #tpu.memory_space<semaphore_mem>>
        %dma_start3A_87 = arith.constant 0 : i32
        %dma_start3A_88 = tpu.memref_slice %arg7[%add3A_85, %dma_start3A_87] : memref<40x128xi32, #tpu.memory_space<vmem>> -> memref<1x128xi32, #tpu.memory_space<vmem>>
        %dma_start3A_89 = tpu.memref_squeeze %dma_start3A_88 : memref<1x128xi32, #tpu.memory_space<vmem>> -> memref<128xi32, #tpu.memory_space<vmem>>
        %dma_start3A_90 = arith.constant 0 : i32
        %dma_start3A_91 = arith.constant 0 : i32
        %dma_start3A_92 = tpu.memref_slice %arg10[%dma_start3A_90, %dma_start3A_91] : memref<10240x128xf32, #tpu.memory_space<vmem_shared>> -> memref<10240x128xf32, #tpu.memory_space<vmem_shared>>
        tpu.enqueue_indirect_dma source(%arg9 : memref<128x128xf32, #tpu.memory_space<vmem>>) target(%dma_start3A_92 : memref<10240x128xf32, #tpu.memory_space<vmem_shared>>) offsets(%dma_start3A_89 : memref<128xi32, #tpu.memory_space<vmem>>) semaphore(%run_scoped3A : memref<!tpu.dma_semaphore, #tpu.memory_space<semaphore_mem>>) {add = true}
        %dma_wait3A_93 = arith.constant 0 : i32
        %dma_wait3A_94 = tpu.memref_slice %arg7[%add3A_85, %dma_wait3A_93] : memref<40x128xi32, #tpu.memory_space<vmem>> -> memref<1x128xi32, #tpu.memory_space<vmem>>
        %dma_wait3A_95 = tpu.memref_squeeze %dma_wait3A_94 : memref<1x128xi32, #tpu.memory_space<vmem>> -> memref<128xi32, #tpu.memory_space<vmem>>
        %dma_wait3A_96 = arith.constant 0 : i32
        %dma_wait3A_97 = arith.constant 0 : i32
        %dma_wait3A_98 = tpu.memref_slice %arg10[%dma_wait3A_96, %dma_wait3A_97] : memref<10240x128xf32, #tpu.memory_space<vmem_shared>> -> memref<10240x128xf32, #tpu.memory_space<vmem_shared>>
        tpu.wait_indirect_dma semaphore(%run_scoped3A : memref<!tpu.dma_semaphore, #tpu.memory_space<semaphore_mem>>) src(%arg9 : memref<128x128xf32, #tpu.memory_space<vmem>>) dst(%dma_wait3A_98 : memref<10240x128xf32, #tpu.memory_space<vmem_shared>>)
        tpu.yield
      }) : () -> ()
      %scan3A_86 = arith.constant 0 : i32
      scf.yield %scan3A_86 : i32
    }
    %scan3A_49 = arith.constant 20 : i32
    "tpu.trace_stop"() : () -> ()
    %barrier3A_50 = arith.constant 0 : index
    tpu.barrier barrier_id(%barrier3A_50)
    "tpu.trace_start"() <{level = 10 : i32, message = "writeout"}> : () -> ()
    %mul3A_51 = arith.constant 640 : i32
    %mul3A_52 = arith.muli %arg1, %mul3A_51 : i32
    %mul3A_53 = arith.constant 640 : i32
    %mul3A_54 = arith.muli %arg1, %mul3A_53 : i32
    "tpu.region"() ({
      %run_scoped3A = tpu.sem_alloc : memref<!tpu.dma_semaphore, #tpu.memory_space<semaphore_mem>>
      %dma_start3A_55 = arith.constant 0 : i32
      %dma_start3A_56 = tpu.memref_slice %arg5[%arg0, %mul3A_54, %dma_start3A_55] : memref<2x10240x128xf32, #tpu.memory_space<hbm>> -> memref<1x640x128xf32, #tpu.memory_space<hbm>>
      %dma_start3A_57 = tpu.memref_squeeze %dma_start3A_56 : memref<1x640x128xf32, #tpu.memory_space<hbm>> -> memref<640x128xf32, #tpu.memory_space<hbm>>
      %dma_start3A_58 = arith.constant 0 : i32
      %dma_start3A_59 = tpu.memref_slice %arg10[%mul3A_52, %dma_start3A_58] : memref<10240x128xf32, #tpu.memory_space<vmem_shared>> -> memref<640x128xf32, #tpu.memory_space<vmem_shared>>
      tpu.enqueue_dma source(%dma_start3A_59 : memref<640x128xf32, #tpu.memory_space<vmem_shared>>) target(%dma_start3A_57 : memref<640x128xf32, #tpu.memory_space<hbm>>) target_semaphore(%run_scoped3A : memref<!tpu.dma_semaphore, #tpu.memory_space<semaphore_mem>>)
      %dma_wait3A = arith.constant 0 : i32
      %dma_wait3A_60 = tpu.memref_slice %arg5[%arg0, %mul3A_54, %dma_wait3A] : memref<2x10240x128xf32, #tpu.memory_space<hbm>> -> memref<1x640x128xf32, #tpu.memory_space<hbm>>
      %dma_wait3A_61 = tpu.memref_squeeze %dma_wait3A_60 : memref<1x640x128xf32, #tpu.memory_space<hbm>> -> memref<640x128xf32, #tpu.memory_space<hbm>>
      %dma_wait3A_62 = arith.constant 0 : i32
      %dma_wait3A_63 = tpu.memref_slice %arg10[%mul3A_52, %dma_wait3A_62] : memref<10240x128xf32, #tpu.memory_space<vmem_shared>> -> memref<640x128xf32, #tpu.memory_space<vmem_shared>>
      tpu.wait_dma2 semaphore(%run_scoped3A : memref<!tpu.dma_semaphore, #tpu.memory_space<semaphore_mem>>) src(%dma_wait3A_63 : memref<640x128xf32, #tpu.memory_space<vmem_shared>>) dst(%dma_wait3A_61 : memref<640x128xf32, #tpu.memory_space<hbm>>)
      tpu.yield
    }) : () -> ()
    "tpu.trace_stop"() : () -> ()
    return
  }
}

module attributes {stable_mosaic.version = 14 : i64} {
  func.func @body(%arg0: i32, %arg1: memref<2x2000x128xf32, #tpu.memory_space<vmem>>, %arg2: memref<128x128xf32, #tpu.memory_space<vmem>>, %arg3: memref<1x128xf32, #tpu.memory_space<vmem>>, %arg4: memref<2000x128xf32, #tpu.memory_space<vmem>>) attributes {dimension_semantics = [#tpu.dimension_semantics<arbitrary>], iteration_bounds = array<i64: 5>, scalar_prefetch = 0 : i64, scratch_operands = 0 : i64, tpu.core_type = #tpu.core_type<tc>, window_params = [{transform_indices = @transform_0, window_bounds = array<i64: 2, 2000, 128>}, {pipeline_mode = #tpu.pipeline_mode<synchronous>, transform_indices = @transform_1, window_bounds = array<i64: 128, 128>}, {pipeline_mode = #tpu.pipeline_mode<synchronous>, transform_indices = @transform_2, window_bounds = array<i64: 1, 128>}, {transform_indices = @transform_3, window_bounds = array<i64: 2000, 128>}]} {
    %get3A = arith.constant 0 : index
    %get3A_0 = arith.constant 0 : index
    %get3A_1 = arith.constant 0 : index
    %get3A_2 = vector.load %arg1[%get3A, %get3A_0, %get3A_1] : memref<2x2000x128xf32, #tpu.memory_space<vmem>>, vector<1x2000x128xf32>
    %get3A_3 = vector.shape_cast %get3A_2 : vector<1x2000x128xf32> to vector<2000x128xf32>
    %get3A_4 = arith.constant 1 : index
    %get3A_5 = arith.constant 0 : index
    %get3A_6 = arith.constant 0 : index
    %get3A_7 = vector.load %arg1[%get3A_4, %get3A_5, %get3A_6] : memref<2x2000x128xf32, #tpu.memory_space<vmem>>, vector<1x2000x128xf32>
    %get3A_8 = vector.shape_cast %get3A_7 : vector<1x2000x128xf32> to vector<2000x128xf32>
    %add3A = arith.addf %get3A_3, %get3A_8 : vector<2000x128xf32>
    %get3A_9 = arith.constant 0 : index
    %get3A_10 = arith.constant 0 : index
    %get3A_11 = vector.load %arg2[%get3A_9, %get3A_10] : memref<128x128xf32, #tpu.memory_space<vmem>>, vector<128x128xf32>
    %dot_general3A = arith.constant dense<0.000000e+00> : vector<2000x128xf32>
    %dot_general3A_12 = tpu.matmul %add3A, %get3A_11, %dot_general3A {dimension_numbers = #tpu.dot_dimension_numbers<[1], [1], [0], [0], [0, 0, 1, 0], [], []>, transpose_lhs_hint = false} : vector<2000x128xf32>, vector<128x128xf32>, vector<2000x128xf32> -> vector<2000x128xf32>
    %get3A_13 = arith.constant 0 : index
    %get3A_14 = arith.constant 0 : index
    %get3A_15 = vector.load %arg3[%get3A_13, %get3A_14] : memref<1x128xf32, #tpu.memory_space<vmem>>, vector<1x128xf32>
    %add3A_16 = vector.broadcast %get3A_15 : vector<1x128xf32> to vector<2000x128xf32>
    %add3A_17 = arith.addf %dot_general3A_12, %add3A_16 : vector<2000x128xf32>
    %swap3A = arith.constant 0 : index
    %swap3A_18 = arith.constant 0 : index
    %swap3A_19 = vector.load %arg4[%swap3A, %swap3A_18] : memref<2000x128xf32, #tpu.memory_space<vmem>>, vector<2000x128xf32>
    tpu.vector_store %arg4[%swap3A, %swap3A_18], %add3A_17 {strides = array<i32>} : memref<2000x128xf32, #tpu.memory_space<vmem>>, vector<2000x128xf32>,
    return
  }
  func.func @transform_0(%arg0: i32) -> (i32, i32, i32) {
    %c0_i32 = arith.constant 0 : i32
    %c0_i32_0 = arith.constant 0 : i32
    %c0_i32_1 = arith.constant 0 : i32
    return %c0_i32, %arg0, %c0_i32_0 : i32, i32, i32
  }
  func.func @transform_1(%arg0: i32) -> (i32, i32) {
    %c0_i32 = arith.constant 0 : i32
    %c0_i32_0 = arith.constant 0 : i32
    %c0_i32_1 = arith.constant 0 : i32
    return %c0_i32, %c0_i32_0 : i32, i32
  }
  func.func @transform_2(%arg0: i32) -> (i32, i32) {
    %c0_i32 = arith.constant 0 : i32
    %c0_i32_0 = arith.constant 0 : i32
    %c0_i32_1 = arith.constant 0 : i32
    return %c0_i32, %c0_i32_0 : i32, i32
  }
  func.func @transform_3(%arg0: i32) -> (i32, i32) {
    %c0_i32 = arith.constant 0 : i32
    %c0_i32_0 = arith.constant 0 : i32
    return %arg0, %c0_i32 : i32, i32
  }
}

module attributes {stable_mosaic.version = 14 : i64} {
  func.func @body(%arg0: i32, %arg1: memref<2x40960xi32, #tpu.memory_space<vmem>>, %arg2: memref<320x128xi32, #tpu.memory_space<vmem>>, %arg3: memref<320x128xi32, #tpu.memory_space<vmem>>) attributes {dimension_semantics = [#tpu.dimension_semantics<arbitrary>], iteration_bounds = array<i64: 8>, scalar_prefetch = 0 : i64, scratch_operands = 0 : i64, tpu.core_type = #tpu.core_type<tc>, window_params = [{transform_indices = @transform_0, window_bounds = array<i64: 2, 40960>}, {transform_indices = @transform_1, window_bounds = array<i64: 320, 128>}, {transform_indices = @transform_2, window_bounds = array<i64: 320, 128>}]} {
    %iota3A = tpu.iota {dimensions = array<i32: 0>} : vector<320x128xi32>
    %mul3A = arith.constant 320 : i32
    %mul3A_0 = arith.muli %arg0, %mul3A : i32
    %add3A = vector.broadcast %mul3A_0 : i32 to vector<320x128xi32>
    %add3A_1 = arith.addi %iota3A, %add3A : vector<320x128xi32>
    %iota3A_2 = tpu.iota {dimensions = array<i32: 1>} : vector<320x128xi32>
    %lt3A = arith.constant 2500 : i32
    %lt3A_3 = vector.broadcast %lt3A : i32 to vector<320x128xi32>
    %lt3A_4 = arith.cmpi slt, %add3A_1, %lt3A_3 : vector<320x128xi32>
    %mul3A_5 = arith.constant 128 : i32
    %mul3A_6 = vector.broadcast %mul3A_5 : i32 to vector<320x128xi32>
    %mul3A_7 = arith.muli %add3A_1, %mul3A_6 : vector<320x128xi32>
    %add3A_8 = arith.addi %mul3A_7, %iota3A_2 : vector<320x128xi32>
    %jit3A = arith.constant 10000 : i32
    %eq3A = arith.constant 0 : i32
    %eq3A_9 = arith.cmpi eq, %jit3A, %eq3A : i32
    %jit3A_10 = arith.constant 1 : i32
    %select_n3A = arith.select %eq3A_9, %jit3A_10, %jit3A : i32
    %rem3A = vector.broadcast %select_n3A : i32 to vector<320x128xi32>
    %rem3A_11 = arith.remsi %add3A_8, %rem3A : vector<320x128xi32>
    %ne3A = arith.constant 0 : i32
    %ne3A_12 = vector.broadcast %ne3A : i32 to vector<320x128xi32>
    %ne3A_13 = arith.cmpi ne, %rem3A_11, %ne3A_12 : vector<320x128xi32>
    %lt3A_14 = arith.constant 0 : i32
    %lt3A_15 = vector.broadcast %lt3A_14 : i32 to vector<320x128xi32>
    %lt3A_16 = arith.cmpi slt, %rem3A_11, %lt3A_15 : vector<320x128xi32>
    %lt3A_17 = arith.constant 0 : i32
    %lt3A_18 = arith.cmpi slt, %select_n3A, %lt3A_17 : i32
    %ne3A_19 = vector.broadcast %lt3A_18 : i1 to vector<320x128xi1>
    %ne3A_20 = vector.broadcast %ne3A_19 : vector<320x128xi1> to vector<320x128xi1>
    %ne3A_21 = arith.xori %lt3A_16, %ne3A_20 : vector<320x128xi1>
    %and3A = arith.andi %ne3A_21, %ne3A_13 : vector<320x128xi1>
    %add3A_22 = vector.broadcast %select_n3A : i32 to vector<320x128xi32>
    %add3A_23 = arith.addi %rem3A_11, %add3A_22 : vector<320x128xi32>
    %select_n3A_24 = arith.select %and3A, %add3A_23, %rem3A_11 : vector<320x128xi1>, vector<320x128xi32>
    %add3A_25 = arith.constant 10000 : i32
    %add3A_26 = vector.broadcast %add3A_25 : i32 to vector<320x128xi32>
    %add3A_27 = arith.addi %add3A_26, %iota3A_2 : vector<320x128xi32>
    %get3A = arith.constant 0 : index
    %get3A_28 = arith.constant 0 : index
    %get3A_29 = vector.load %arg1[%get3A, %get3A_28] : memref<2x40960xi32, #tpu.memory_space<vmem>>, vector<1x40960xi32>
    %get3A_30 = vector.shape_cast %get3A_29 : vector<1x40960xi32> to vector<40960xi32>
    %reshape3A = vector.shape_cast %get3A_30 : vector<40960xi32> to vector<320x128xi32>
    %get3A_31 = arith.constant 1 : index
    %get3A_32 = arith.constant 0 : index
    %get3A_33 = vector.load %arg1[%get3A_31, %get3A_32] : memref<2x40960xi32, #tpu.memory_space<vmem>>, vector<1x40960xi32>
    %get3A_34 = vector.shape_cast %get3A_33 : vector<1x40960xi32> to vector<40960xi32>
    %reshape3A_35 = vector.shape_cast %get3A_34 : vector<40960xi32> to vector<320x128xi32>
    %select_n3A_36 = arith.select %lt3A_4, %reshape3A, %select_n3A_24 : vector<320x128xi1>, vector<320x128xi32>
    %swap3A = arith.constant 0 : index
    %swap3A_37 = arith.constant 0 : index
    %swap3A_38 = vector.load %arg2[%swap3A, %swap3A_37] : memref<320x128xi32, #tpu.memory_space<vmem>>, vector<320x128xi32>
    tpu.vector_store %arg2[%swap3A, %swap3A_37], %select_n3A_36 {strides = array<i32>} : memref<320x128xi32, #tpu.memory_space<vmem>>, vector<320x128xi32>,
    %select_n3A_39 = arith.select %lt3A_4, %reshape3A_35, %add3A_27 : vector<320x128xi1>, vector<320x128xi32>
    %swap3A_40 = arith.constant 0 : index
    %swap3A_41 = arith.constant 0 : index
    %swap3A_42 = vector.load %arg3[%swap3A_40, %swap3A_41] : memref<320x128xi32, #tpu.memory_space<vmem>>, vector<320x128xi32>
    tpu.vector_store %arg3[%swap3A_40, %swap3A_41], %select_n3A_39 {strides = array<i32>} : memref<320x128xi32, #tpu.memory_space<vmem>>, vector<320x128xi32>,
    return
  }
  func.func @transform_0(%arg0: i32) -> (i32, i32) {
    %min3A = arith.constant 7 : i32
    %min3A_0 = arith.minsi %arg0, %min3A : i32
    %c0_i32 = arith.constant 0 : i32
    %c0_i32_1 = arith.constant 0 : i32
    return %c0_i32, %min3A_0 : i32, i32
  }
  func.func @transform_1(%arg0: i32) -> (i32, i32) {
    %c0_i32 = arith.constant 0 : i32
    %c0_i32_0 = arith.constant 0 : i32
    return %arg0, %c0_i32 : i32, i32
  }
  func.func @transform_2(%arg0: i32) -> (i32, i32) {
    %c0_i32 = arith.constant 0 : i32
    %c0_i32_0 = arith.constant 0 : i32
    return %arg0, %c0_i32 : i32, i32
  }
}

</mosaic_0001>

<sc_bundles>
// kernel: kernel.5.cloned.1.call-start
scs
__scs_entry_jumppad:
0x0: {  	(pc) =	sbr.rel $0x88, $3  }
0x1: {  	(tag) =	ssettag $0x0;
	lr =	simm.s32 $0x1  }
0x2: {  	[smem:$0x3F9D] =	sst lr;
	_ =	strace $0xD0000000  }
0x3: {  	_ = 	snop  }
0x4: {  	_ = 	snop  }
0x5: {  	_ = 	snop  }
0x6: {  	_ = 	snop  }
0x7: {  	_ = 	snop  }
__scs_overlays_trampoline_lowered:
0x8: {  	[smem:$0x3FAC] =	sst s0  }
0x9: {  	[smem:$0x3FAD] =	sst s1  }
0xa: {  	[smem:$0x3FAE] =	sst s2  }
0xb: {  	[smem:$0x3FAF] =	sst s3  }
0xc: {  	[smem:$0x3FB0] =	sst s4  }
0xd: {  	[smem:$0x3FB1] =	sst s5  }
0xe: {  	[smem:$0x3FB2] =	sst s6  }
0xf: {  	[smem:$0x3FB3] =	sst s7  }
0x10: {  	[smem:$0x3FB4] =	sst s8  }
0x11: {  	[smem:$0x3FB5] =	sst s9;
	s0 =	simm.s32 @!p0 $0x0  }
0x12: {  	s1 =	sld [smem:$0x3F9B];
	s0 =	simm.s32 @p0 $0x1  }
0x13: {  	[smem:$0x3FB6] =	sst s0;
	s0 =	simm.s32 @!p1 $0x0  }
0x14: {  	s2 =	sld [smem:$0x3F9A];
	s0 =	simm.s32 @p1 $0x1  }
0x15: {  	[smem:$0x3FB7] =	sst s0;
	s0 =	simm.s32 @!p2 $0x0  }
0x16: {  	s3 =	sld [smem:$0x3FDB];
	s0 =	simm.s32 @p2 $0x1  }
0x17: {  	s4 =	simm.s32 $0x1BF5;
	[smem:$0x3FB9] =	sst s0  }
0x18: {  	s0 =	sld [smem:$0x3F9C];
	_ =	swait.ge [sflag:s4], $0x0  }
0x19: {  	s7 =	sld [smem:$0x3F9D]  }
0x1a: {  	s8 =	sadd.s32 $0xFFFFE003, lr  }
0x1b: {  	s9 =	sadd.s32 $0xFFFFFEF7, lr;
	s5 =	simm.s32 $0xFFFFFFFF;
	p2 =	slt.u32 s8, $0xFFFFF086  }
0x1c: {  	p1 =	slt.u32 s9, $0xF7A;
	s5 =	simm.s32 @!p2 $0x0  }
0x1d: {  	s5 =	simm.s32 @p1 $0x1;
	p0 =	seq.s32 s7, s2  }
0x1e: {  	s7 =	smul.u32 @!p0 $0xF7A, s2;
	p2 =	seq.s32 @!p0 s5, $0x0  }
0x1f: {  	s9 =	smul.u32 $0xF7A, s1;
	s8 =	simm.s32 @!p0 $0x1BF5;
	p2 =	por !p2, p0  }
0x20: {  	[sflag:s8] =	ssyncset.s32 @!p0 $0xFFFFF086;
	s6 =	sadd.s32 @!p0 s3, s7;
	s7 =	simm.s32 @!p0 $0x108  }
0x21: {  	s3 =	sadd.s32 s3, s9;
	s6 =	sadd.s32 @!p0 $0x88, s6;
	s7 =	simm.s32 @p2 $0x1082  }
0x22: {  	[simem:s7], [sflag:s8] =	dma.local @!p0 [hbm:s6], $0xF7A  }
0x23: {  	s9 =	sor.u32 $0xD0000000, s2;
	s6 =	simm.s32 $0x108;
	_ =	swait.ge @!p0 [sflag:s8], $0x0  }
0x24: {  	s3 =	sadd.s32 $0x88, s3;
	s6 =	simm.s32 @!p1 $0x1082;
	[sflag:s4] =	ssyncset.s32 $0xFFFFF086  }
0x25: {  	[simem:s6], [sflag:s4] =	dma.local [hbm:s3], $0xF7A  }
0x26: {  	[smem:$0x3F9D] =	sst s1;
	(tag) =	ssettag s2;
	_ =	strace s9  }
0x27: {  	s1 =	sld [smem:$0x3FAD]  }
0x28: {  	s2 =	sld [smem:$0x3FAE]  }
0x29: {  	s4 =	sld [smem:$0x3FB0]  }
0x2a: {  	p0 =	seq.s32 s5, $0x0;
	s5 =	sld [smem:$0x3FB1]  }
0x2b: {  	s6 =	sld [smem:$0x3FB2]  }
0x2c: {  	s7 =	sld [smem:$0x3FB3]  }
0x2d: {  	s3 =	simm.s32 $0x108;
	s8 =	sld [smem:$0x3FB4]  }
0x2e: {  	s3 =	simm.s32 @!p0 $0x1082;
	s9 =	sld [smem:$0x3FB5]  }
0x2f: {  	lr =	sadd.s32 s0, s3;
	s0 =	sld [smem:$0x3FAC]  }
0x30: {  	s3 =	sld [smem:$0x3FAF]  }
0x31: {  	[smem:$0x3FB8] =	sst s10  }
0x32: {  	s10 =	sld [smem:$0x3FB6];
	_ =	sdelay $0x3  }
0x33: {  	p0 =	seq.s32 s10, $0x1;
	s10 =	sld [smem:$0x3FB8];
	_ =	sdelay $0x3  }
0x34: {  	[smem:$0x3FB8] =	sst s10  }
0x35: {  	s10 =	sld [smem:$0x3FB7];
	_ =	sdelay $0x3  }
0x36: {  	p1 =	seq.s32 s10, $0x1;
	s10 =	sld [smem:$0x3FB8];
	_ =	sdelay $0x3  }
0x37: {  	[smem:$0x3FB8] =	sst s10  }
0x38: {  	s10 =	sld [smem:$0x3FB9]  }
0x39: {  	_ = 	snop;
	(pc) =	sbr.ind lr, $3  }
0x3a: {  	_ = 	snop  }
0x3b: {  	_ = 	snop  }
0x3c: {  	p2 =	seq.s32 s10, $0x1;
	s10 =	sld [smem:$0x3FB8]  }
0x3d: {  	_ =	shalt  }
0x3e: {  	_ =	shalt  }
0x3f: {  	_ =	shalt  }
0x40: {  	_ =	shalt  }
0x41: {  	_ =	shalt  }
0x42: {  	_ =	shalt  }
0x43: {  	_ =	shalt  }
0x44: {  	_ =	shalt  }
0x45: {  	_ =	shalt  }
0x46: {  	_ =	shalt  }
0x47: {  	_ =	shalt  }
0x48: {  	_ =	shalt  }
0x49: {  	_ =	shalt  }
0x4a: {  	_ =	shalt  }
0x4b: {  	_ =	shalt  }
0x4c: {  	_ =	shalt  }
0x4d: {  	_ =	shalt  }
0x4e: {  	_ =	shalt  }
0x4f: {  	_ =	shalt  }
0x50: {  	_ =	shalt  }
0x51: {  	_ =	shalt  }
0x52: {  	_ =	shalt  }
0x53: {  	_ =	shalt  }
0x54: {  	_ =	shalt  }
0x55: {  	_ =	shalt  }
0x56: {  	_ =	shalt  }
0x57: {  	_ =	shalt  }
0x58: {  	_ =	shalt  }
0x59: {  	_ =	shalt  }
0x5a: {  	_ =	shalt  }
0x5b: {  	_ =	shalt  }
0x5c: {  	_ =	shalt  }
0x5d: {  	_ =	shalt  }
0x5e: {  	_ =	shalt  }
0x5f: {  	_ =	shalt  }
0x60: {  	_ =	shalt  }
0x61: {  	_ =	shalt  }
0x62: {  	_ =	shalt  }
0x63: {  	_ =	shalt  }
0x64: {  	_ =	shalt  }
0x65: {  	_ =	shalt  }
0x66: {  	_ =	shalt  }
0x67: {  	_ =	shalt  }
0x68: {  	_ =	shalt  }
0x69: {  	_ =	shalt  }
0x6a: {  	_ =	shalt  }
0x6b: {  	_ =	shalt  }
0x6c: {  	_ =	shalt  }
0x6d: {  	_ =	shalt  }
0x6e: {  	_ =	shalt  }
0x6f: {  	_ =	shalt  }
0x70: {  	_ =	shalt  }
0x71: {  	_ =	shalt  }
0x72: {  	_ =	shalt  }
0x73: {  	_ =	shalt  }
0x74: {  	_ =	shalt  }
0x75: {  	_ =	shalt  }
0x76: {  	_ =	shalt  }
0x77: {  	_ =	shalt  }
0x78: {  	_ =	shalt  }
0x79: {  	_ =	shalt  }
0x7a: {  	_ =	shalt  }
0x7b: {  	_ =	shalt  }
0x7c: {  	_ =	shalt  }
0x7d: {  	_ =	shalt  }
0x7e: {  	_ =	shalt  }
0x7f: {  	_ =	shalt  }
0x80: {  	_ =	shalt  }
0x81: {  	_ =	shalt  }
0x82: {  	_ =	shalt  }
0x83: {  	_ =	shalt  }
0x84: {  	_ =	shalt  }
0x85: {  	_ =	shalt  }
0x86: {  	_ =	shalt  }
0x87: {  	_ =	shalt  }
.Lfunc_end0:
.L_simem_size_0:
called_computation_lowered:
.L_overlay_start_0:
0x88: {  	s2 =	sld [smem:$0x3FD9]  }
0x89: {  	s3 =	sld [smem:$0x3FFE];
	_ =	sdelay $0x1  }
0x8a: {  	s1 =	srdreg.scid  }
0x8b: {  	s0 =	sand.u32 $0x1, s1  }
0x8c: {  	s17 =	sshll.u32 s0, $0xA;
	s2 =	sadd.s32 s3, s2  }
0x8d: {  	s2 =	sadd.s32 s2, s17  }
0x8e: {  	[smem:$0x3FC4] =	sst s2  }
0x8f: {  	_ = 	snop  }
0x90: {  	s2 =	sld [smem:$0x3FC9]  }
0x91: {  	s18 =	sld [smem:$0x3FD0];
	(tm) =	ssettm $0x1  }
0x92: {  	s4 =	sld [smem:$0x3FFB];
	_ =	sdelay $0x3  }
0x93: {  	_ =	strace s4  }
0x94: {  	s4 =	sld [smem:$0x3FFC];
	_ =	sdelay $0x3  }
0x95: {  	_ =	strace s4  }
0x96: {  	s4 =	sld [smem:$0x3FFD];
	_ =	sdelay $0x3  }
0x97: {  	_ =	strace s4  }
0x98: {  	_ =	strace $0x8FFFFFFF  }
0x99: {  	s19 =	sld [smem:$0x3FDB];
	_ =	sdelay $0x1  }
0x9a: {  	s5 =	simm.s32 $_scs_section_size  }
0x9b: {  	s6 =	simm.s32 $_size__tile_overlayer_lowered;
	s7 =	simm.s32 $_tile_overlayer_lowered  }
0x9c: {  	s22 =	simm.s32 $0x1BFF;
	s21 =	sshll.u32 s7, $0x1;
	s4 =	sadd.s32 s5, s19  }
0x9d: {  	s8 =	simm.s32 $0x0;
	s20 =	sshll.u32 s6, $0x1;
	s6 =	sadd.s32 s21, s4  }
0x9e: {  	[timem:s8], [sflag:s22] =	dma.local [hbm:s6], s20  }
0x9f: {  	_ =	swait.ge [sflag:s22], s20  }
0xa0: {  	s5 =	ssub.s32 $0x0, s20;
	[sflag:s22] =	ssyncset.done $0x0  }
0xa1: {  	[sflag:s22] =	ssyncadd.s32 s5;
	_ =	sdelay $0x1  }
0xa2: {  	s23 =	simm.s32 $0x1B8B  }
0xa3: {  	_ =	swait.ge [sflag:s23], $0x1  }
0xa4: {  	[sflag:s23] =	ssyncset.done $0x0  }
0xa5: {  	s25 =	simm.s32 $0x1B8E;
	s24 =	sld [smem:$0x3FFE];
	[sflag:s23] =	ssyncadd.s32 $0xFFFFFFFF  }
0xa6: {  	s26 =	simm.s32 $execute0_lowered;
	[smem:$0x3FD2] =	sst s25  }
0xa7: {  	s6 =	sshll.u32 s26, $0x1;
	_ =	strace $0x80000046;
	[dreg:$0x1] =	wrdreg $0xFFFFFFFF  }
0xa8: {  	s28 =	simm.s32 $_size_execute0_lowered;
	s4 =	sadd.s32 s4, s6;
	[dreg:$0x0] =	wrdreg $0x0  }
0xa9: {  	s6 =	sshll.u32 s28, $0x1;
	[dreg:$0x2] =	wrdreg s4  }
0xaa: {  	[dreg:$0x3] =	wrdreg s6  }
0xab: {  	[dreg:$0x4] =	wrdreg $0xC0  }
0xac: {  	_ =	task [dreg:s8], $0x5FFFF  }
0xad: {  	[dreg:$0x1] =	wrdreg $0xFFFFFFFF  }
0xae: {  	[dreg:$0x0] =	wrdreg $0x60  }
0xaf: {  	[dreg:$0x2] =	wrdreg s2  }
0xb0: {  	[dreg:$0x3] =	wrdreg s18  }
0xb1: {  	[dreg:$0x4] =	wrdreg s24  }
0xb2: {  	[dreg:$0x5] =	wrdreg $0xA8000  }
0xb3: {  	[dreg:$0x6] =	wrdreg $0x9  }
0xb4: {  	_ =	task.clear_ibuf [dreg:s8], $0x7FFFF;
	_ =	strace $0x90000046  }
0xb5: {  	s29 =	simm.s32 $0x9;
	_ =	strace $0x8000004E  }
0xb6: {  	_ =	swait.ge [sflag:s29], $0x1  }
0xb7: {  	[sflag:s29] =	ssyncadd.s32 $0xFFFFFFFF  }
0xb8: {  	_ =	strace $0x9000004E  }
0xb9: {  	_ =	sfence  }
0xba: {  	s30 =	sld [smem:$0x0];
	_ =	sdelay $0x2  }
0xbb: {  	s31 =	sshll.u32 s1, $0xD;
	s1 =	sshrl.u32 s1, $0x2  }
0xbc: {  	s3 =	sand.u32 $0x4000, s31;
	s1 =	sadd.s32 s1, s30  }
0xbd: {  	s0 =	sor.u32 s3, s0;
	s1 =	sshll.u32 s1, $0x11  }
0xbe: {  	s0 =	sor.u32 s1, s0  }
0xbf: {  	s0 =	sadd.s32 $0x8F2B, s0  }
0xc0: {  	[sflag:s0] =	ssyncadd.remote.s32 $0x1  }
0xc1: {  	_ =	sfence.sel $0xFFFF  }
0xc2: {  	[dreg:$0x0] =	wrdreg $0xFFFFFFFF;
	(pc) =	sbr.abs _section_cstart, $3  }
0xc3: {  	[dreg:$0x1] =	wrdreg $0xFFFFFFFF  }
0xc4: {  	_ =	task.clear_ibuf [dreg:s8], $0x2FFFF;
	_ =	strace $0x9FFFFFFF  }
0xc5: {  	(tm) =	ssettm $0x7FFFFFFF  }
tec
execute0_lowered:
.L_overlay_start_1:
0x0: {  	(tag) =	ssettag $0x1  }
0x1: {  	s1 =	rddreg [dreg:$0x0]  }
0x2: {  	s8 =	rddreg [dreg:$0x1]  }
0x3: {  	s5 =	rddreg [dreg:$0x2]  }
0x4: {  	s3 =	rddreg [dreg:$0x3]  }
0x5: {  	s4 =	srdreg.scid;
	s2 =	stileid.u32;
	s16 =	simm.s32 $0x3  }
0x6: {  	s17 =	simm.s32 $0x1400;
	s18 =	simm.s32 $0x80;
	s19 =	simm.s32 $0x2800  }
0x7: {  	s20 =	simm.s32 $0x6800;
	s21 =	simm.s32 $0x1;
	s22 =	simm.s32 $0x2  }
0x8: {  	s23 =	simm.s32 $0x1380;
	s24 =	simm.s32 $0x2700;
	s25 =	simm.s32 $0x2780  }
0x9: {  	s26 =	simm.s32 $0x0;
	s6 =	sand.u32 $0x1, s4;
	s10 =	smul.u32 $0x14000, s2  }
0xa: {  	s4 =	simm.s32 $0x0;
	s9 =	sshll.u32 s2, $0x1;
	s13 =	smul.u32 $0x50000, s2  }
0xb: {  	s11 =	sadd.s32 $0x1200, s5;
	s7 =	smul.u32 $0x140000, s6;
	s9 =	sor.u32 s6, s9  }
0xc: {  	[smem:$0x7FF] =	sst s4;
	s6 =	ssub.s32 $0x2, s6;
	s12 =	smul.u32 $0x500, s9  }
0xd: {  	_ =	strace $0x80000047;
	s9 =	smul.u32 $0x2800, s9;
	s29 =	sshrl.u32 s6, $0x1  }
0xe: {  	s31 =	sshrl.u32 s13, $0x2;
	s7 =	sadd.s32 s10, s7;
	s15 =	ssub.s32 s6, s29  }
0xf: {  	s7 =	sshrl.u32 s7, $0x3;
	s30 =	sshrl.u32 s9, $0x3;
	s6 =	sadd.s32 s11, s12  }
0x10: {  	s14 =	sadd.s32 s7, s5;
	s5 =	sadd.s32 s8, s12;
	s9 =	sadd.s32 $0x280, s30  }
0x11: {  	s7 =	sadd.s32 s31, s3;
	s8 =	sadd.s32 s8, s9;
	s9 =	sadd.s32 s11, s9  }
0x12: {  	s10 =	sadd.s32 $0xB200, s14;
	s11 =	smax.u32 s15, $0x1;
	s12 =	sadd.s32 $0x4000, s7  }
0x13: {  	v0 =	vimm.f32 $0.0e+00;
	s13 =	sadd.s32 $0x8000, s7;
	s14 =	sadd.s32 $0xC000, s7;
	s15 =	sadd.s32 $0x10000, s7  }
.LBB2_1:
0x14: {  	_ =	strace $0x80000048  }
0x15: {  	[tilespmem:s4], [sflag:$0x3] =	stream.linear.gather [hbm4b:s5+s4], $0x1400, $0x200038;
	[tilespmem:$0x1E800] =	vst v63  }
0x16: {  	_ =	swait.ge [sflag:s16], $0x1400  }
0x17: {  	[sflag:s16] =	ssyncset.done $0x0  }
0x18: {  	[sflag:s16] =	ssyncadd.s32 $0xFFFFEC00  }
0x19: {  	[tilespmem:s17], [sflag:$0x3] =	stream.linear.gather [hbm4b:s6+s4], $0x1400, $0x200038;
	[tilespmem:$0x1E800] =	vst v63  }
0x1a: {  	_ =	swait.ge [sflag:s16], $0x1400  }
0x1b: {  	[sflag:s16] =	ssyncset.done $0x0  }
0x1c: {  	[sflag:s16] =	ssyncadd.s32 $0xFFFFEC00  }
0x1d: {  	_ =	strace $0x90000048  }
0x1e: {  	[tilespmem:s19], [sflag:$0x1] =	stream.indirect.gather [hbm4b:s1+s18], $0x80, s4, s18, $0xb8;
	[tilespmem:$0x1E800] =	vst v63  }
0x1f: {  	s28 =	simm.s32 $0x0;
	s29 =	simm.s32 $0x200;
	_ =	strace $0x80000049  }
.LBB2_2:
0x20: {  	p0 =	sne.s32 s29, $0xFE00;
	[tilespmem:s28+$0x6870] =	vst v0  }
0x21: {  	[tilespmem:s28+$0x6800] =	vst v0  }
0x22: {  	[tilespmem:s28+$0x6810] =	vst v0  }
.Ltmp0:
0x23: {  	[tilespmem:s28+$0x6820] =	vst v0;
	(pc) =	sbr.rel @p0 .LBB2_2-.Ltmp0, $4  }
0x24: {  	[tilespmem:s28+$0x6830] =	vst v0  }
0x25: {  	[tilespmem:s28+$0x6840] =	vst v0  }
0x26: {  	[tilespmem:s28+$0x6850] =	vst v0  }
0x27: {  	[tilespmem:s28+$0x6860] =	vst v0;
	s28 =	sshra.s32 s29, $0x2;
	s29 =	sadd.s32 $0x200, s29  }
0x28: {  	[tilespmem:s28+$0x6870] =	vst v0  }
0x29: {  	[tilespmem:s28+$0x6800] =	vst v0  }
0x2a: {  	[tilespmem:s28+$0x6810] =	vst v0  }
0x2b: {  	[tilespmem:s28+$0x6820] =	vst v0  }
0x2c: {  	[tilespmem:s28+$0x6830] =	vst v0  }
0x2d: {  	[tilespmem:s28+$0x6840] =	vst v0  }
0x2e: {  	[tilespmem:s28+$0x6850] =	vst v0  }
0x2f: {  	[tilespmem:s28+$0x6860] =	vst v0  }
0x30: {  	[spmem:s7] =	stream.linear.scatter [tilespmem:s20], [sflag:$0x3], $0x4000, $0x200038;
	[tilespmem:$0x1E800] =	vst v63  }
0x31: {  	_ =	swait.ge [sflag:s16], $0x4000  }
0x32: {  	[sflag:s16] =	ssyncset.done $0x0  }
0x33: {  	[sflag:s16] =	ssyncadd.s32 $0xFFFFC000  }
0x34: {  	[spmem:s12] =	stream.linear.scatter [tilespmem:s20], [sflag:$0x3], $0x4000, $0x200038;
	[tilespmem:$0x1E800] =	vst v63  }
0x35: {  	_ =	swait.ge [sflag:s16], $0x4000  }
0x36: {  	[sflag:s16] =	ssyncset.done $0x0  }
0x37: {  	[sflag:s16] =	ssyncadd.s32 $0xFFFFC000  }
0x38: {  	[spmem:s13] =	stream.linear.scatter [tilespmem:s20], [sflag:$0x3], $0x4000, $0x200038;
	[tilespmem:$0x1E800] =	vst v63  }
0x39: {  	_ =	swait.ge [sflag:s16], $0x4000  }
0x3a: {  	[sflag:s16] =	ssyncset.done $0x0  }
0x3b: {  	[sflag:s16] =	ssyncadd.s32 $0xFFFFC000  }
0x3c: {  	[spmem:s14] =	stream.linear.scatter [tilespmem:s20], [sflag:$0x3], $0x4000, $0x200038;
	[tilespmem:$0x1E800] =	vst v63  }
0x3d: {  	_ =	swait.ge [sflag:s16], $0x4000  }
0x3e: {  	[sflag:s16] =	ssyncset.done $0x0  }
0x3f: {  	[sflag:s16] =	ssyncadd.s32 $0xFFFFC000  }
0x40: {  	[spmem:s15] =	stream.linear.scatter [tilespmem:s20], [sflag:$0x3], $0x4000, $0x200038;
	[tilespmem:$0x1E800] =	vst v63  }
0x41: {  	_ =	swait.ge [sflag:s16], $0x4000  }
0x42: {  	[sflag:s16] =	ssyncset.done $0x0  }
0x43: {  	[sflag:s16] =	ssyncadd.s32 $0xFFFFC000  }
0x44: {  	[bflag:$0x0] =	sbarrier.arrive $0xFFFF  }
0x45: {  	_ =	strace $0x90000049  }
0x46: {  	s28 =	simm.s32 $0x80;
	_ =	strace $0x8000004A  }
0x47: {  	[tilespmem:s20], [sflag:$0x2] =	stream.indirect.gather [hbm4b:s1+s18], $0x80, s28, s18, $0x2000b8;
	[tilespmem:$0x1E800] =	vst v63  }
0x48: {  	_ =	swait.ge [sflag:s21], $0x4000  }
0x49: {  	[sflag:s21] =	ssyncset.done $0x0  }
0x4a: {  	s28 =	simm.s32 $0x1400;
	[sflag:s21] =	ssyncadd.s32 $0xFFFFC000  }
0x4b: {  	[spmem:s3] =	stream.indirect.scatter.add.f32 [tilespmem:s19], [sflag:$0x3], $0x80, s28, s18, $0x2000b8;
	[tilespmem:$0x1E800] =	vst v63  }
0x4c: {  	_ =	swait.ge [sflag:s16], $0x4000  }
0x4d: {  	[sflag:s16] =	ssyncset.done $0x0  }
0x4e: {  	s28 =	simm.s32 $0x100;
	[sflag:s16] =	ssyncadd.s32 $0xFFFFC000  }
0x4f: {  	[tilespmem:s19], [sflag:$0x1] =	stream.indirect.gather [hbm4b:s1+s18], $0x80, s28, s18, $0x2000b8;
	[tilespmem:$0x1E800] =	vst v63  }
0x50: {  	_ =	swait.ge [sflag:s22], $0x4000  }
0x51: {  	[sflag:s22] =	ssyncset.done $0x0  }
0x52: {  	s28 =	simm.s32 $0x1480;
	[sflag:s22] =	ssyncadd.s32 $0xFFFFC000  }
0x53: {  	[spmem:s3] =	stream.indirect.scatter.add.f32 [tilespmem:s20], [sflag:$0x3], $0x80, s28, s18, $0x2000b8;
	[tilespmem:$0x1E800] =	vst v63  }
0x54: {  	_ =	swait.ge [sflag:s16], $0x4000  }
0x55: {  	s29 =	simm.s32 $0x800;
	s28 =	simm.s32 $0x100;
	[sflag:s16] =	ssyncset.done $0x0  }
.LBB2_4:
0x56: {  	s30 =	sadd.s32 $0x80, s28  }
0x57: {  	[sflag:s16] =	ssyncadd.s32 $0xFFFFC000;
	s31 =	smov.u32 s29;
	s0 =	sadd.s32 $0x400, s29  }
0x58: {  	[tilespmem:s20], [sflag:$0x2] =	stream.indirect.gather [hbm4b:s1+s18], $0x80, s30, s18, $0x2000b8;
	[tilespmem:$0x1E800] =	vst v63  }
0x59: {  	p0 =	sne.s32 s29, $0x4800;
	_ =	swait.ge [sflag:s21], $0x4000  }
0x5a: {  	[sflag:s21] =	ssyncset.done $0x0  }
0x5b: {  	s29 =	sadd.s32 $0x1400, s28;
	[sflag:s21] =	ssyncadd.s32 $0xFFFFC000  }
0x5c: {  	[spmem:s3] =	stream.indirect.scatter.add.f32 [tilespmem:s19], [sflag:$0x3], $0x80, s29, s18, $0x2000b8;
	[tilespmem:$0x1E800] =	vst v63  }
0x5d: {  	_ =	swait.ge [sflag:s16], $0x4000  }
0x5e: {  	[sflag:s16] =	ssyncset.done $0x0  }
0x5f: {  	s29 =	sadd.s32 $0x100, s28;
	[sflag:s16] =	ssyncadd.s32 $0xFFFFC000  }
0x60: {  	[tilespmem:s19], [sflag:$0x1] =	stream.indirect.gather [hbm4b:s1+s18], $0x80, s29, s18, $0x2000b8;
	[tilespmem:$0x1E800] =	vst v63  }
0x61: {  	_ =	swait.ge [sflag:s22], $0x4000  }
.Ltmp1:
0x62: {  	[sflag:s22] =	ssyncset.done $0x0;
	(pc) =	sbr.rel @p0 .LBB2_4-.Ltmp1, $4  }
0x63: {  	s28 =	sadd.s32 $0x1480, s28;
	[sflag:s22] =	ssyncadd.s32 $0xFFFFC000  }
0x64: {  	[spmem:s3] =	stream.indirect.scatter.add.f32 [tilespmem:s20], [sflag:$0x3], $0x80, s28, s18, $0x2000b8;
	[tilespmem:$0x1E800] =	vst v63  }
0x65: {  	_ =	swait.ge [sflag:s16], $0x4000  }
0x66: {  	s29 =	smov.u32 s0;
	s28 =	sshra.s32 s31, $0x2;
	[sflag:s16] =	ssyncset.done $0x0  }
0x67: {  	s0 =	sadd.s32 $0x80, s28;
	[sflag:s16] =	ssyncadd.s32 $0xFFFFC000  }
0x68: {  	[tilespmem:s20], [sflag:$0x2] =	stream.indirect.gather [hbm4b:s1+s18], $0x80, s0, s18, $0x2000b8;
	[tilespmem:$0x1E800] =	vst v63  }
0x69: {  	_ =	swait.ge [sflag:s21], $0x4000  }
0x6a: {  	[sflag:s21] =	ssyncset.done $0x0  }
0x6b: {  	s30 =	sadd.s32 $0x1400, s28;
	[sflag:s21] =	ssyncadd.s32 $0xFFFFC000  }
0x6c: {  	[spmem:s3] =	stream.indirect.scatter.add.f32 [tilespmem:s19], [sflag:$0x3], $0x80, s30, s18, $0x2000b8;
	[tilespmem:$0x1E800] =	vst v63  }
0x6d: {  	_ =	swait.ge [sflag:s16], $0x4000  }
0x6e: {  	[sflag:s16] =	ssyncset.done $0x0  }
0x6f: {  	s31 =	sadd.s32 $0x100, s28;
	[sflag:s16] =	ssyncadd.s32 $0xFFFFC000  }
0x70: {  	[tilespmem:s19], [sflag:$0x1] =	stream.indirect.gather [hbm4b:s1+s18], $0x80, s31, s18, $0x2000b8;
	[tilespmem:$0x1E800] =	vst v63  }
0x71: {  	_ =	swait.ge [sflag:s22], $0x4000  }
0x72: {  	[sflag:s22] =	ssyncset.done $0x0  }
0x73: {  	s30 =	sadd.s32 $0x1480, s28;
	[sflag:s22] =	ssyncadd.s32 $0xFFFFC000  }
0x74: {  	[spmem:s3] =	stream.indirect.scatter.add.f32 [tilespmem:s20], [sflag:$0x3], $0x80, s30, s18, $0x2000b8;
	[tilespmem:$0x1E800] =	vst v63  }
0x75: {  	_ =	swait.ge [sflag:s16], $0x4000  }
0x76: {  	[sflag:s16] =	ssyncset.done $0x0  }
0x77: {  	[sflag:s16] =	ssyncadd.s32 $0xFFFFC000  }
0x78: {  	[tilespmem:s20], [sflag:$0x2] =	stream.indirect.gather [hbm4b:s1+s18], $0x80, s23, s18, $0x2000b8;
	[tilespmem:$0x1E800] =	vst v63  }
0x79: {  	_ =	swait.ge [sflag:s21], $0x4000  }
0x7a: {  	[sflag:s21] =	ssyncset.done $0x0  }
0x7b: {  	[sflag:s21] =	ssyncadd.s32 $0xFFFFC000  }
0x7c: {  	[spmem:s3] =	stream.indirect.scatter.add.f32 [tilespmem:s19], [sflag:$0x3], $0x80, s24, s18, $0x2000b8;
	[tilespmem:$0x1E800] =	vst v63  }
0x7d: {  	_ =	swait.ge [sflag:s16], $0x4000  }
0x7e: {  	[sflag:s16] =	ssyncset.done $0x0  }
0x7f: {  	[sflag:s16] =	ssyncadd.s32 $0xFFFFC000  }
0x80: {  	_ =	swait.ge [sflag:s22], $0x4000  }
0x81: {  	[sflag:s22] =	ssyncset.done $0x0  }
0x82: {  	[sflag:s22] =	ssyncadd.s32 $0xFFFFC000  }
0x83: {  	[spmem:s3] =	stream.indirect.scatter.add.f32 [tilespmem:s20], [sflag:$0x3], $0x80, s25, s18, $0x2000b8;
	[tilespmem:$0x1E800] =	vst v63  }
0x84: {  	_ =	swait.ge [sflag:s16], $0x4000  }
0x85: {  	[sflag:s16] =	ssyncset.done $0x0  }
0x86: {  	[sflag:s16] =	ssyncadd.s32 $0xFFFFC000  }
0x87: {  	_ =	strace $0x9000004A  }
0x88: {  	s31 =	simm.s32 $0x0;
	_ =	strace $0x8000004B  }
0x89: {  	[tilespmem:s31], [sflag:$0x3] =	stream.linear.gather [hbm4b:s8+s31], $0x1400, $0x200038;
	[tilespmem:$0x1E800] =	vst v63  }
0x8a: {  	_ =	swait.ge [sflag:s16], $0x1400  }
0x8b: {  	[sflag:s16] =	ssyncset.done $0x0  }
0x8c: {  	[sflag:s16] =	ssyncadd.s32 $0xFFFFEC00  }
0x8d: {  	[tilespmem:s17], [sflag:$0x3] =	stream.linear.gather [hbm4b:s9+s31], $0x1400, $0x200038;
	[tilespmem:$0x1E800] =	vst v63  }
0x8e: {  	_ =	swait.ge [sflag:s16], $0x1400  }
0x8f: {  	[sflag:s16] =	ssyncset.done $0x0  }
0x90: {  	[sflag:s16] =	ssyncadd.s32 $0xFFFFEC00  }
0x91: {  	_ =	strace $0x9000004B  }
0x92: {  	[tilespmem:s19], [sflag:$0x1] =	stream.indirect.gather [hbm4b:s1+s18], $0x80, s31, s18, $0xb8;
	[tilespmem:$0x1E800] =	vst v63  }
0x93: {  	s30 =	simm.s32 $0x80;
	_ =	strace $0x8000004C  }
0x94: {  	[tilespmem:s20], [sflag:$0x2] =	stream.indirect.gather [hbm4b:s1+s18], $0x80, s30, s18, $0x2000b8;
	[tilespmem:$0x1E800] =	vst v63  }
0x95: {  	_ =	swait.ge [sflag:s21], $0x4000  }
0x96: {  	[sflag:s21] =	ssyncset.done $0x0  }
0x97: {  	s31 =	simm.s32 $0x1400;
	[sflag:s21] =	ssyncadd.s32 $0xFFFFC000  }
0x98: {  	[spmem:s3] =	stream.indirect.scatter.add.f32 [tilespmem:s19], [sflag:$0x3], $0x80, s31, s18, $0x2000b8;
	[tilespmem:$0x1E800] =	vst v63  }
0x99: {  	_ =	swait.ge [sflag:s16], $0x4000  }
0x9a: {  	[sflag:s16] =	ssyncset.done $0x0  }
0x9b: {  	s30 =	simm.s32 $0x100;
	[sflag:s16] =	ssyncadd.s32 $0xFFFFC000  }
0x9c: {  	[tilespmem:s19], [sflag:$0x1] =	stream.indirect.gather [hbm4b:s1+s18], $0x80, s30, s18, $0x2000b8;
	[tilespmem:$0x1E800] =	vst v63  }
0x9d: {  	_ =	swait.ge [sflag:s22], $0x4000  }
0x9e: {  	[sflag:s22] =	ssyncset.done $0x0  }
0x9f: {  	s31 =	simm.s32 $0x1480;
	[sflag:s22] =	ssyncadd.s32 $0xFFFFC000  }
0xa0: {  	[spmem:s3] =	stream.indirect.scatter.add.f32 [tilespmem:s20], [sflag:$0x3], $0x80, s31, s18, $0x2000b8;
	[tilespmem:$0x1E800] =	vst v63  }
0xa1: {  	_ =	swait.ge [sflag:s16], $0x4000  }
0xa2: {  	s29 =	simm.s32 $0x800;
	s28 =	simm.s32 $0x100;
	[sflag:s16] =	ssyncset.done $0x0  }
.LBB2_6:
0xa3: {  	s0 =	sadd.s32 $0x80, s28  }
0xa4: {  	[sflag:s16] =	ssyncadd.s32 $0xFFFFC000;
	s30 =	smov.u32 s29;
	s31 =	sadd.s32 $0x400, s29  }
0xa5: {  	[tilespmem:s20], [sflag:$0x2] =	stream.indirect.gather [hbm4b:s1+s18], $0x80, s0, s18, $0x2000b8;
	[tilespmem:$0x1E800] =	vst v63  }
0xa6: {  	p0 =	sne.s32 s29, $0x4800;
	_ =	swait.ge [sflag:s21], $0x4000  }
0xa7: {  	[sflag:s21] =	ssyncset.done $0x0  }
0xa8: {  	s0 =	sadd.s32 $0x1400, s28;
	[sflag:s21] =	ssyncadd.s32 $0xFFFFC000  }
0xa9: {  	[spmem:s3] =	stream.indirect.scatter.add.f32 [tilespmem:s19], [sflag:$0x3], $0x80, s0, s18, $0x2000b8;
	[tilespmem:$0x1E800] =	vst v63  }
0xaa: {  	_ =	swait.ge [sflag:s16], $0x4000  }
0xab: {  	[sflag:s16] =	ssyncset.done $0x0  }
0xac: {  	s0 =	sadd.s32 $0x100, s28;
	[sflag:s16] =	ssyncadd.s32 $0xFFFFC000  }
0xad: {  	[tilespmem:s19], [sflag:$0x1] =	stream.indirect.gather [hbm4b:s1+s18], $0x80, s0, s18, $0x2000b8;
	[tilespmem:$0x1E800] =	vst v63  }
0xae: {  	_ =	swait.ge [sflag:s22], $0x4000  }
.Ltmp2:
0xaf: {  	[sflag:s22] =	ssyncset.done $0x0;
	(pc) =	sbr.rel @p0 .LBB2_6-.Ltmp2, $4  }
0xb0: {  	s0 =	sadd.s32 $0x1480, s28;
	[sflag:s22] =	ssyncadd.s32 $0xFFFFC000  }
0xb1: {  	[spmem:s3] =	stream.indirect.scatter.add.f32 [tilespmem:s20], [sflag:$0x3], $0x80, s0, s18, $0x2000b8;
	[tilespmem:$0x1E800] =	vst v63  }
0xb2: {  	_ =	swait.ge [sflag:s16], $0x4000  }
0xb3: {  	s29 =	smov.u32 s31;
	s28 =	sshra.s32 s30, $0x2;
	[sflag:s16] =	ssyncset.done $0x0  }
0xb4: {  	s0 =	sadd.s32 $0x80, s28;
	[sflag:s16] =	ssyncadd.s32 $0xFFFFC000  }
0xb5: {  	[tilespmem:s20], [sflag:$0x2] =	stream.indirect.gather [hbm4b:s1+s18], $0x80, s0, s18, $0x2000b8;
	[tilespmem:$0x1E800] =	vst v63  }
0xb6: {  	_ =	swait.ge [sflag:s21], $0x4000  }
0xb7: {  	[sflag:s21] =	ssyncset.done $0x0  }
0xb8: {  	s30 =	sadd.s32 $0x1400, s28;
	[sflag:s21] =	ssyncadd.s32 $0xFFFFC000  }
0xb9: {  	[spmem:s3] =	stream.indirect.scatter.add.f32 [tilespmem:s19], [sflag:$0x3], $0x80, s30, s18, $0x2000b8;
	[tilespmem:$0x1E800] =	vst v63  }
0xba: {  	_ =	swait.ge [sflag:s16], $0x4000  }
0xbb: {  	[sflag:s16] =	ssyncset.done $0x0  }
0xbc: {  	s31 =	sadd.s32 $0x100, s28;
	[sflag:s16] =	ssyncadd.s32 $0xFFFFC000  }
0xbd: {  	[tilespmem:s19], [sflag:$0x1] =	stream.indirect.gather [hbm4b:s1+s18], $0x80, s31, s18, $0x2000b8;
	[tilespmem:$0x1E800] =	vst v63  }
0xbe: {  	_ =	swait.ge [sflag:s22], $0x4000  }
0xbf: {  	[sflag:s22] =	ssyncset.done $0x0  }
0xc0: {  	s29 =	sadd.s32 $0x1480, s28;
	[sflag:s22] =	ssyncadd.s32 $0xFFFFC000  }
0xc1: {  	[spmem:s3] =	stream.indirect.scatter.add.f32 [tilespmem:s20], [sflag:$0x3], $0x80, s29, s18, $0x2000b8;
	[tilespmem:$0x1E800] =	vst v63  }
0xc2: {  	_ =	swait.ge [sflag:s16], $0x4000  }
0xc3: {  	[sflag:s16] =	ssyncset.done $0x0  }
0xc4: {  	[sflag:s16] =	ssyncadd.s32 $0xFFFFC000  }
0xc5: {  	[tilespmem:s20], [sflag:$0x2] =	stream.indirect.gather [hbm4b:s1+s18], $0x80, s23, s18, $0x2000b8;
	[tilespmem:$0x1E800] =	vst v63  }
0xc6: {  	_ =	swait.ge [sflag:s21], $0x4000  }
0xc7: {  	[sflag:s21] =	ssyncset.done $0x0  }
0xc8: {  	[sflag:s21] =	ssyncadd.s32 $0xFFFFC000  }
0xc9: {  	[spmem:s3] =	stream.indirect.scatter.add.f32 [tilespmem:s19], [sflag:$0x3], $0x80, s24, s18, $0x2000b8;
	[tilespmem:$0x1E800] =	vst v63  }
0xca: {  	_ =	swait.ge [sflag:s16], $0x4000  }
0xcb: {  	[sflag:s16] =	ssyncset.done $0x0  }
0xcc: {  	[sflag:s16] =	ssyncadd.s32 $0xFFFFC000  }
0xcd: {  	_ =	swait.ge [sflag:s22], $0x4000  }
0xce: {  	[sflag:s22] =	ssyncset.done $0x0  }
0xcf: {  	[sflag:s22] =	ssyncadd.s32 $0xFFFFC000  }
0xd0: {  	[spmem:s3] =	stream.indirect.scatter.add.f32 [tilespmem:s20], [sflag:$0x3], $0x80, s25, s18, $0x2000b8;
	[tilespmem:$0x1E800] =	vst v63  }
0xd1: {  	_ =	swait.ge [sflag:s16], $0x4000  }
0xd2: {  	[sflag:s16] =	ssyncset.done $0x0  }
0xd3: {  	[sflag:s16] =	ssyncadd.s32 $0xFFFFC000  }
0xd4: {  	s26 =	sadd.s32 $0x1, s26;
	_ =	strace $0x9000004C  }
0xd5: {  	p0 =	sne.s32 s26, s11;
	s30 =	sshll.u32 s2, $0x6;
	[bflag:$0x0] =	sbarrier.arrive $0xFFFF  }
0xd6: {  	s0 =	sor.u32 $0x1C03, s30;
	s31 =	sshrl.u32 s7, $0x3;
	_ =	strace $0x8000004D  }
0xd7: {  	[hbm:s10], [sflag:s0] =	dma.local [spmem:s31], $0x2800  }
.Ltmp3:
0xd8: {  	_ = 	snop;
	(pc) =	sbr.rel @p0 .LBB2_1-.Ltmp3, $4  }
0xd9: {  	_ =	swait.ge [sflag:s16], $0x2800  }
0xda: {  	[sflag:s16] =	ssyncset.done $0x0  }
0xdb: {  	[sflag:s16] =	ssyncadd.s32 $0xFFFFD800  }
0xdc: {  	_ =	strace $0x9000004D  }
0xdd: {  	_ =	sfence.sel $0x180000  }
0xde: {  	[bflag:$0x0] =	sbarrier.arrive $0xFFFF  }
0xdf: {  	_ =	strace $0x90000047  }
0xe0: {  	[bflag:$0x2] =	sbarrier.arrive $0xFFFF  }
0xe1: {  	p0 =	sne.s32 s2, $0x0;
	s0 =	rddreg [dreg:$0x4]  }
0xe2: {  	s0 =	sadd.s32 @!p0 $0x100000, s0  }
0xe3: {  	[sflag:s0] =	ssyncadd.tile.s32 @!p0 $0x1;
	_ =	shalt  }
.Lfunc_end2:
_tile_overlayer_lowered:
.L_overlay_start_2:
0xe4: {  	(tag) =	ssettag $0x2  }
0xe5: {  	s0 =	rddreg [dreg:$0x0];
	s2 =	stileid.u32  }
0xe6: {  	s1 =	rddreg [dreg:$0x1];
	p0 =	sne.s32 s2, $0x0  }
0xe7: {  	s3 =	rddreg [dreg:$0x2];
	[bflag:$0x3] =	sbarrier.arrive $0xFFFF;
	s2 =	simm.s32 @!p0 $0x1C03  }
0xe8: {  	[timem:s3], [sflag:s2] =	dma.local @!p0 [hbm:s0], s1  }
0xe9: {  	s0 =	simm.s32 @!p0 $0x3  }
0xea: {  	_ =	swait.ge @!p0 [sflag:s0], s1  }
0xeb: {  	s1 =	ssub.s32 @!p0 $0x0, s1;
	[sflag:s0] =	ssyncset.done @!p0 $0x0  }
0xec: {  	[sflag:s0] =	ssyncadd.s32 @!p0 s1  }
0xed: {  	[bflag:$0x3] =	sbarrier.arrive $0xFFFF  }
0xee: {  	_ =	shalt  }

</sc_bundles>
